<compile_context>
chip_gen: v7x
topology: tpu7x:2x2x1
jax: 0.10.2.dev20260603
libtpu: 0.0.44.dev20260713+nightly
codegen_flags: <defaults>
</compile_context>

<pallas_src>
import functools

import jax
import jax.numpy as jnp
import numpy as np
from jax import lax
from jax.experimental import pallas as pl
from jax.experimental.pallas import tpu as pltpu
from jax.experimental.pallas import tpu_sc as plsc

_FIELD_DIMS = [38462] * 26
_NUM_HEADS = 2

_NC = 2
_NS = 16
_NW = _NC * _NS
_CHUNK = 32


def _build(batch, num_fields, total_rows):
  b_per_w = batch // _NW
  n_chunks = b_per_w // _CHUNK
  n_tiles = 4 * num_fields
  mesh = plsc.VectorSubcoreMesh(core_axis_name="c", subcore_axis_name="s")

  @functools.partial(
      pl.kernel,
      out_type=jax.ShapeDtypeStruct((n_tiles, _NW, 8, 128), jnp.float32),
      mesh=mesh,
      scratch_types=[
          pltpu.VMEM((b_per_w * num_fields,), jnp.int32),
          pltpu.VMEM((_CHUNK * num_fields, 32), jnp.float32),
          pltpu.VMEM((_CHUNK * num_fields, 32), jnp.float32),
          pltpu.VMEM((n_tiles, 8, _CHUNK), jnp.float32),
          pltpu.SemaphoreType.DMA,
          pltpu.SemaphoreType.DMA,
      ],
      compiler_params=pltpu.CompilerParams(
          use_tc_tiling_on_sc=False, needs_layout_passes=False),
  )
  def gather_kernel(idx_hbm, table_hbm, out_hbm, idx_v, rows0, rows1, out_v,
                    sem0, sem1):
    wid = lax.axis_index("s") * _NC + lax.axis_index("c")
    base = wid * b_per_w

    pltpu.sync_copy(idx_hbm.at[pl.ds(base * num_fields, b_per_w * num_fields)],
                    idx_v)

    rows_bufs = (rows0, rows1)
    sems = (sem0, sem1)
    e_per_c = _CHUNK * num_fields
    n_desc = 8

    def fire(s, buf, sem):
      for d in range(n_desc):
        off = s * e_per_c + d * (e_per_c // n_desc)
        pltpu.async_copy(
            table_hbm.at[idx_v.at[pl.ds(off, e_per_c // n_desc)]],
            buf.at[pl.ds(d * (e_per_c // n_desc), e_per_c // n_desc)], sem)

    def drain(s, buf, sem):
      for d in range(n_desc):
        off = s * e_per_c + d * (e_per_c // n_desc)
        pltpu.make_async_copy(
            table_hbm.at[idx_v.at[pl.ds(off, e_per_c // n_desc)]],
            buf.at[pl.ds(d * (e_per_c // n_desc), e_per_c // n_desc)],
            sem).wait()

    def transpose_and_store(s, buf):
      @pl.loop(0, n_tiles * 8)
      def _tp(i):
        tk = i // 8
        j = i % 8
        q = tk // num_fields
        f = tk - q * num_fields
        c = 8 * q + j
        lane = jax.lax.iota(jnp.int32, 16)
        c_vec = jnp.full((16,), c, dtype=jnp.int32)
        for t in range(_CHUNK // 16):
          e_vec = (lane + 16 * t) * num_fields + f
          vals = plsc.load_gather(buf, [e_vec, c_vec])
          out_v[tk, j, pl.ds(16 * t, 16)] = vals

      pltpu.sync_copy(
          out_v, out_hbm.at[:, wid, :, pl.ds(s * _CHUNK, _CHUNK)])

    fire(0, rows_bufs[0], sems[0])
    for s in range(n_chunks):
      if s + 1 < n_chunks:
        fire(s + 1, rows_bufs[(s + 1) % 2], sems[(s + 1) % 2])
      drain(s, rows_bufs[s % 2], sems[s % 2])
      transpose_and_store(s, rows_bufs[s % 2])

  return gather_kernel


def kernel(x, table):
  batch, num_fields = x.shape
  total_rows, embed_dim = table.shape
  offsets = jnp.asarray(
      np.concatenate(([0], np.cumsum(_FIELD_DIMS)[:-1])), dtype=x.dtype
  )
  idx = (x + offsets[None, :]).reshape(-1)
  o4 = _build(batch, num_fields, total_rows)(idx, table)
  out = o4.transpose(1, 3, 0, 2).reshape(batch, 2 * num_fields * 16)
  return out.reshape(batch, _NUM_HEADS, num_fields * 16)

# --- scband reference (transcript-rebuilt; emitter-appended) ---
"""Pipeline reference for scband-multi-head-feature-embedding-67379446939989 (READ-ONLY COPY).

The authoritative reference and input builder live on the scoring server;
editing this copy changes nothing except your own understanding.
"""

import jax, jax.numpy as jnp
import numpy as np

FIELD_DIMS = [38462] * 26
EMBED_DIM = 32
NUM_HEADS = 2
BATCH = 4096


def setup_inputs(seed: int = 0) -> dict:
    key = jax.random.key(seed)
    k1, k2 = jax.random.split(key)
    total_rows = int(sum(FIELD_DIMS))
    x = jax.random.randint(k1, (BATCH, len(FIELD_DIMS)), 0, FIELD_DIMS[0], dtype=jnp.int32)
    table = jax.random.normal(k2, (total_rows, EMBED_DIM), dtype=jnp.float32) * 0.02
    return {"x": x, "table": table}


def reference(x, table):
    # FeaturesEmbedding: add per-field offsets into a single shared table, then gather
    offsets = jnp.asarray(np.concatenate(([0], np.cumsum(FIELD_DIMS)[:-1])), dtype=x.dtype)
    idx = x + offsets[None, :]
    embed_x = jnp.take(table, idx, axis=0)  # [B, num_fields, embed_dim]
    # split embed dim into num_heads chunks and stack as head axis
    parts = jnp.split(embed_x, NUM_HEADS, axis=-1)          # each [B, F, D/H]
    mh = jnp.stack(parts, axis=1)                           # [B, H, F, D/H]
    a, b = jnp.split(mh, 2, axis=-1)                        # each [B, H, F, D/(2H)]
    e1 = a.reshape(a.shape[0], a.shape[1], -1)              # [B, H, F*D/(2H)]
    e2 = b.reshape(b.shape[0], b.shape[1], -1)
    return jnp.concatenate([e1, e2], axis=-1)               # [B, H, F*D/H]

if __name__ == "__main__":
    import jax
    _d = setup_inputs()
    print(jax.jit(kernel)(*tuple(_d.values())))

</pallas_src>

<mosaic_0001>
#map = affine_map<(d0, d1) -> (0)>
#map1 = affine_map<(d0, d1) -> (0, 0)>
#map2 = affine_map<(d0, d1) -> (0, 0, 0, 0)>
module attributes {stable_mosaic.version = 14 : i64} {
  func.func @gather_kernel(%arg0: i32, %arg1: i32, %arg2: memref<106496xi32, #tpu.memory_space<hbm>>, %arg3: memref<1000012x32xf32, #tpu.memory_space<hbm>>, %arg4: memref<104x32x8x128xf32, #tpu.memory_space<hbm>>, %arg5: memref<3328xi32, #tpu.memory_space<vmem>>, %arg6: memref<832x32xf32, #tpu.memory_space<vmem>>, %arg7: memref<832x32xf32, #tpu.memory_space<vmem>>, %arg8: memref<104x8x32xf32, #tpu.memory_space<vmem>>, %arg9: memref<!tpu.dma_semaphore, #tpu.memory_space<semaphore_mem>>, %arg10: memref<!tpu.dma_semaphore, #tpu.memory_space<semaphore_mem>>) attributes {dimension_semantics = [#tpu.dimension_semantics<core_parallel>, #tpu.dimension_semantics<subcore_parallel>], iteration_bounds = array<i64: 2, 16>, scalar_prefetch = 0 : i64, scratch_operands = 6 : i64, tpu.core_type = #tpu.core_type<sc_vector_subcore>, window_params = [{transform_indices = #map}, {transform_indices = #map1}, {transform_indices = #map2}]} {
    %mul3A = arith.constant 2 : i32
    %mul3A_0 = arith.muli %arg1, %mul3A : i32
    %add3A = arith.addi %mul3A_0, %arg0 : i32
    %mul3A_1 = arith.constant 128 : i32
    %mul3A_2 = arith.muli %add3A, %mul3A_1 : i32
    %mul3A_3 = arith.constant 26 : i32
    %mul3A_4 = arith.muli %mul3A_2, %mul3A_3 : i32
    "tpu.region"() ({
      %run_scoped3A = tpu.sem_alloc : memref<!tpu.dma_semaphore, #tpu.memory_space<semaphore_mem>>
      %dma_start3A_534 = tpu.memref_slice %arg2[%mul3A_4] : memref<106496xi32, #tpu.memory_space<hbm>> -> memref<3328xi32, #tpu.memory_space<hbm>>
      %dma_start3A_535 = tpu.memref_slice %arg2[%mul3A_4] : memref<106496xi32, #tpu.memory_space<hbm>> -> memref<3328xi32, #tpu.memory_space<hbm>>
      tpu.enqueue_dma source(%dma_start3A_535 : memref<3328xi32, #tpu.memory_space<hbm>>) target(%arg5 : memref<3328xi32, #tpu.memory_space<vmem>>) target_semaphore(%run_scoped3A : memref<!tpu.dma_semaphore, #tpu.memory_space<semaphore_mem>>)
      %dma_wait3A_536 = tpu.memref_slice %arg2[%mul3A_4] : memref<106496xi32, #tpu.memory_space<hbm>> -> memref<3328xi32, #tpu.memory_space<hbm>>
      %dma_wait3A_537 = tpu.memref_slice %arg2[%mul3A_4] : memref<106496xi32, #tpu.memory_space<hbm>> -> memref<3328xi32, #tpu.memory_space<hbm>>
      tpu.wait_dma2 semaphore(%run_scoped3A : memref<!tpu.dma_semaphore, #tpu.memory_space<semaphore_mem>>) src(%dma_wait3A_537 : memref<3328xi32, #tpu.memory_space<hbm>>) dst(%arg5 : memref<3328xi32, #tpu.memory_space<vmem>>)
      tpu.yield
    }) : () -> ()
    %dma_start3A = arith.constant 0 : i32
    %dma_start3A_5 = arith.constant 0 : i32
    %dma_start3A_6 = tpu.memref_slice %arg6[%dma_start3A, %dma_start3A_5] : memref<832x32xf32, #tpu.memory_space<vmem>> -> memref<104x32xf32, #tpu.memory_space<vmem>>
    %dma_start3A_7 = arith.constant 0 : i32
    %dma_start3A_8 = tpu.memref_slice %arg5[%dma_start3A_7] : memref<3328xi32, #tpu.memory_space<vmem>> -> memref<104xi32, #tpu.memory_space<vmem>>
    %dma_start3A_9 = arith.constant 0 : i32
    %dma_start3A_10 = arith.constant 0 : i32
    %dma_start3A_11 = tpu.memref_slice %arg3[%dma_start3A_9, %dma_start3A_10] : memref<1000012x32xf32, #tpu.memory_space<hbm>> -> memref<1000012x32xf32, #tpu.memory_space<hbm>>
    tpu.enqueue_indirect_dma source(%dma_start3A_11 : memref<1000012x32xf32, #tpu.memory_space<hbm>>) target(%dma_start3A_6 : memref<104x32xf32, #tpu.memory_space<vmem>>) offsets(%dma_start3A_8 : memref<104xi32, #tpu.memory_space<vmem>>) semaphore(%arg9 : memref<!tpu.dma_semaphore, #tpu.memory_space<semaphore_mem>>)
    %dma_start3A_12 = arith.constant 104 : i32
    %dma_start3A_13 = arith.constant 0 : i32
    %dma_start3A_14 = tpu.memref_slice %arg6[%dma_start3A_12, %dma_start3A_13] : memref<832x32xf32, #tpu.memory_space<vmem>> -> memref<104x32xf32, #tpu.memory_space<vmem>>
    %dma_start3A_15 = arith.constant 104 : i32
    %dma_start3A_16 = tpu.memref_slice %arg5[%dma_start3A_15] : memref<3328xi32, #tpu.memory_space<vmem>> -> memref<104xi32, #tpu.memory_space<vmem>>
    %dma_start3A_17 = arith.constant 0 : i32
    %dma_start3A_18 = arith.constant 0 : i32
    %dma_start3A_19 = tpu.memref_slice %arg3[%dma_start3A_17, %dma_start3A_18] : memref<1000012x32xf32, #tpu.memory_space<hbm>> -> memref<1000012x32xf32, #tpu.memory_space<hbm>>
    tpu.enqueue_indirect_dma source(%dma_start3A_19 : memref<1000012x32xf32, #tpu.memory_space<hbm>>) target(%dma_start3A_14 : memref<104x32xf32, #tpu.memory_space<vmem>>) offsets(%dma_start3A_16 : memref<104xi32, #tpu.memory_space<vmem>>) semaphore(%arg9 : memref<!tpu.dma_semaphore, #tpu.memory_space<semaphore_mem>>)
    %dma_start3A_20 = arith.constant 208 : i32
    %dma_start3A_21 = arith.constant 0 : i32
    %dma_start3A_22 = tpu.memref_slice %arg6[%dma_start3A_20, %dma_start3A_21] : memref<832x32xf32, #tpu.memory_space<vmem>> -> memref<104x32xf32, #tpu.memory_space<vmem>>
    %dma_start3A_23 = arith.constant 208 : i32
    %dma_start3A_24 = tpu.memref_slice %arg5[%dma_start3A_23] : memref<3328xi32, #tpu.memory_space<vmem>> -> memref<104xi32, #tpu.memory_space<vmem>>
    %dma_start3A_25 = arith.constant 0 : i32
    %dma_start3A_26 = arith.constant 0 : i32
    %dma_start3A_27 = tpu.memref_slice %arg3[%dma_start3A_25, %dma_start3A_26] : memref<1000012x32xf32, #tpu.memory_space<hbm>> -> memref<1000012x32xf32, #tpu.memory_space<hbm>>
    tpu.enqueue_indirect_dma source(%dma_start3A_27 : memref<1000012x32xf32, #tpu.memory_space<hbm>>) target(%dma_start3A_22 : memref<104x32xf32, #tpu.memory_space<vmem>>) offsets(%dma_start3A_24 : memref<104xi32, #tpu.memory_space<vmem>>) semaphore(%arg9 : memref<!tpu.dma_semaphore, #tpu.memory_space<semaphore_mem>>)
    %dma_start3A_28 = arith.constant 312 : i32
    %dma_start3A_29 = arith.constant 0 : i32
    %dma_start3A_30 = tpu.memref_slice %arg6[%dma_start3A_28, %dma_start3A_29] : memref<832x32xf32, #tpu.memory_space<vmem>> -> memref<104x32xf32, #tpu.memory_space<vmem>>
    %dma_start3A_31 = arith.constant 312 : i32
    %dma_start3A_32 = tpu.memref_slice %arg5[%dma_start3A_31] : memref<3328xi32, #tpu.memory_space<vmem>> -> memref<104xi32, #tpu.memory_space<vmem>>
    %dma_start3A_33 = arith.constant 0 : i32
    %dma_start3A_34 = arith.constant 0 : i32
    %dma_start3A_35 = tpu.memref_slice %arg3[%dma_start3A_33, %dma_start3A_34] : memref<1000012x32xf32, #tpu.memory_space<hbm>> -> memref<1000012x32xf32, #tpu.memory_space<hbm>>
    tpu.enqueue_indirect_dma source(%dma_start3A_35 : memref<1000012x32xf32, #tpu.memory_space<hbm>>) target(%dma_start3A_30 : memref<104x32xf32, #tpu.memory_space<vmem>>) offsets(%dma_start3A_32 : memref<104xi32, #tpu.memory_space<vmem>>) semaphore(%arg9 : memref<!tpu.dma_semaphore, #tpu.memory_space<semaphore_mem>>)
    %dma_start3A_36 = arith.constant 416 : i32
    %dma_start3A_37 = arith.constant 0 : i32
    %dma_start3A_38 = tpu.memref_slice %arg6[%dma_start3A_36, %dma_start3A_37] : memref<832x32xf32, #tpu.memory_space<vmem>> -> memref<104x32xf32, #tpu.memory_space<vmem>>
    %dma_start3A_39 = arith.constant 416 : i32
    %dma_start3A_40 = tpu.memref_slice %arg5[%dma_start3A_39] : memref<3328xi32, #tpu.memory_space<vmem>> -> memref<104xi32, #tpu.memory_space<vmem>>
    %dma_start3A_41 = arith.constant 0 : i32
    %dma_start3A_42 = arith.constant 0 : i32
    %dma_start3A_43 = tpu.memref_slice %arg3[%dma_start3A_41, %dma_start3A_42] : memref<1000012x32xf32, #tpu.memory_space<hbm>> -> memref<1000012x32xf32, #tpu.memory_space<hbm>>
    tpu.enqueue_indirect_dma source(%dma_start3A_43 : memref<1000012x32xf32, #tpu.memory_space<hbm>>) target(%dma_start3A_38 : memref<104x32xf32, #tpu.memory_space<vmem>>) offsets(%dma_start3A_40 : memref<104xi32, #tpu.memory_space<vmem>>) semaphore(%arg9 : memref<!tpu.dma_semaphore, #tpu.memory_space<semaphore_mem>>)
    %dma_start3A_44 = arith.constant 520 : i32
    %dma_start3A_45 = arith.constant 0 : i32
    %dma_start3A_46 = tpu.memref_slice %arg6[%dma_start3A_44, %dma_start3A_45] : memref<832x32xf32, #tpu.memory_space<vmem>> -> memref<104x32xf32, #tpu.memory_space<vmem>>
    %dma_start3A_47 = arith.constant 520 : i32
    %dma_start3A_48 = tpu.memref_slice %arg5[%dma_start3A_47] : memref<3328xi32, #tpu.memory_space<vmem>> -> memref<104xi32, #tpu.memory_space<vmem>>
    %dma_start3A_49 = arith.constant 0 : i32
    %dma_start3A_50 = arith.constant 0 : i32
    %dma_start3A_51 = tpu.memref_slice %arg3[%dma_start3A_49, %dma_start3A_50] : memref<1000012x32xf32, #tpu.memory_space<hbm>> -> memref<1000012x32xf32, #tpu.memory_space<hbm>>
    tpu.enqueue_indirect_dma source(%dma_start3A_51 : memref<1000012x32xf32, #tpu.memory_space<hbm>>) target(%dma_start3A_46 : memref<104x32xf32, #tpu.memory_space<vmem>>) offsets(%dma_start3A_48 : memref<104xi32, #tpu.memory_space<vmem>>) semaphore(%arg9 : memref<!tpu.dma_semaphore, #tpu.memory_space<semaphore_mem>>)
    %dma_start3A_52 = arith.constant 624 : i32
    %dma_start3A_53 = arith.constant 0 : i32
    %dma_start3A_54 = tpu.memref_slice %arg6[%dma_start3A_52, %dma_start3A_53] : memref<832x32xf32, #tpu.memory_space<vmem>> -> memref<104x32xf32, #tpu.memory_space<vmem>>
    %dma_start3A_55 = arith.constant 624 : i32
    %dma_start3A_56 = tpu.memref_slice %arg5[%dma_start3A_55] : memref<3328xi32, #tpu.memory_space<vmem>> -> memref<104xi32, #tpu.memory_space<vmem>>
    %dma_start3A_57 = arith.constant 0 : i32
    %dma_start3A_58 = arith.constant 0 : i32
    %dma_start3A_59 = tpu.memref_slice %arg3[%dma_start3A_57, %dma_start3A_58] : memref<1000012x32xf32, #tpu.memory_space<hbm>> -> memref<1000012x32xf32, #tpu.memory_space<hbm>>
    tpu.enqueue_indirect_dma source(%dma_start3A_59 : memref<1000012x32xf32, #tpu.memory_space<hbm>>) target(%dma_start3A_54 : memref<104x32xf32, #tpu.memory_space<vmem>>) offsets(%dma_start3A_56 : memref<104xi32, #tpu.memory_space<vmem>>) semaphore(%arg9 : memref<!tpu.dma_semaphore, #tpu.memory_space<semaphore_mem>>)
    %dma_start3A_60 = arith.constant 728 : i32
    %dma_start3A_61 = arith.constant 0 : i32
    %dma_start3A_62 = tpu.memref_slice %arg6[%dma_start3A_60, %dma_start3A_61] : memref<832x32xf32, #tpu.memory_space<vmem>> -> memref<104x32xf32, #tpu.memory_space<vmem>>
    %dma_start3A_63 = arith.constant 728 : i32
    %dma_start3A_64 = tpu.memref_slice %arg5[%dma_start3A_63] : memref<3328xi32, #tpu.memory_space<vmem>> -> memref<104xi32, #tpu.memory_space<vmem>>
    %dma_start3A_65 = arith.constant 0 : i32
    %dma_start3A_66 = arith.constant 0 : i32
    %dma_start3A_67 = tpu.memref_slice %arg3[%dma_start3A_65, %dma_start3A_66] : memref<1000012x32xf32, #tpu.memory_space<hbm>> -> memref<1000012x32xf32, #tpu.memory_space<hbm>>
    tpu.enqueue_indirect_dma source(%dma_start3A_67 : memref<1000012x32xf32, #tpu.memory_space<hbm>>) target(%dma_start3A_62 : memref<104x32xf32, #tpu.memory_space<vmem>>) offsets(%dma_start3A_64 : memref<104xi32, #tpu.memory_space<vmem>>) semaphore(%arg9 : memref<!tpu.dma_semaphore, #tpu.memory_space<semaphore_mem>>)
    %dma_start3A_68 = arith.constant 0 : i32
    %dma_start3A_69 = arith.constant 0 : i32
    %dma_start3A_70 = tpu.memref_slice %arg7[%dma_start3A_68, %dma_start3A_69] : memref<832x32xf32, #tpu.memory_space<vmem>> -> memref<104x32xf32, #tpu.memory_space<vmem>>
    %dma_start3A_71 = arith.constant 832 : i32
    %dma_start3A_72 = tpu.memref_slice %arg5[%dma_start3A_71] : memref<3328xi32, #tpu.memory_space<vmem>> -> memref<104xi32, #tpu.memory_space<vmem>>
    %dma_start3A_73 = arith.constant 0 : i32
    %dma_start3A_74 = arith.constant 0 : i32
    %dma_start3A_75 = tpu.memref_slice %arg3[%dma_start3A_73, %dma_start3A_74] : memref<1000012x32xf32, #tpu.memory_space<hbm>> -> memref<1000012x32xf32, #tpu.memory_space<hbm>>
    tpu.enqueue_indirect_dma source(%dma_start3A_75 : memref<1000012x32xf32, #tpu.memory_space<hbm>>) target(%dma_start3A_70 : memref<104x32xf32, #tpu.memory_space<vmem>>) offsets(%dma_start3A_72 : memref<104xi32, #tpu.memory_space<vmem>>) semaphore(%arg10 : memref<!tpu.dma_semaphore, #tpu.memory_space<semaphore_mem>>)
    %dma_start3A_76 = arith.constant 104 : i32
    %dma_start3A_77 = arith.constant 0 : i32
    %dma_start3A_78 = tpu.memref_slice %arg7[%dma_start3A_76, %dma_start3A_77] : memref<832x32xf32, #tpu.memory_space<vmem>> -> memref<104x32xf32, #tpu.memory_space<vmem>>
    %dma_start3A_79 = arith.constant 936 : i32
    %dma_start3A_80 = tpu.memref_slice %arg5[%dma_start3A_79] : memref<3328xi32, #tpu.memory_space<vmem>> -> memref<104xi32, #tpu.memory_space<vmem>>
    %dma_start3A_81 = arith.constant 0 : i32
    %dma_start3A_82 = arith.constant 0 : i32
    %dma_start3A_83 = tpu.memref_slice %arg3[%dma_start3A_81, %dma_start3A_82] : memref<1000012x32xf32, #tpu.memory_space<hbm>> -> memref<1000012x32xf32, #tpu.memory_space<hbm>>
    tpu.enqueue_indirect_dma source(%dma_start3A_83 : memref<1000012x32xf32, #tpu.memory_space<hbm>>) target(%dma_start3A_78 : memref<104x32xf32, #tpu.memory_space<vmem>>) offsets(%dma_start3A_80 : memref<104xi32, #tpu.memory_space<vmem>>) semaphore(%arg10 : memref<!tpu.dma_semaphore, #tpu.memory_space<semaphore_mem>>)
    %dma_start3A_84 = arith.constant 208 : i32
    %dma_start3A_85 = arith.constant 0 : i32
    %dma_start3A_86 = tpu.memref_slice %arg7[%dma_start3A_84, %dma_start3A_85] : memref<832x32xf32, #tpu.memory_space<vmem>> -> memref<104x32xf32, #tpu.memory_space<vmem>>
    %dma_start3A_87 = arith.constant 1040 : i32
    %dma_start3A_88 = tpu.memref_slice %arg5[%dma_start3A_87] : memref<3328xi32, #tpu.memory_space<vmem>> -> memref<104xi32, #tpu.memory_space<vmem>>
    %dma_start3A_89 = arith.constant 0 : i32
    %dma_start3A_90 = arith.constant 0 : i32
    %dma_start3A_91 = tpu.memref_slice %arg3[%dma_start3A_89, %dma_start3A_90] : memref<1000012x32xf32, #tpu.memory_space<hbm>> -> memref<1000012x32xf32, #tpu.memory_space<hbm>>
    tpu.enqueue_indirect_dma source(%dma_start3A_91 : memref<1000012x32xf32, #tpu.memory_space<hbm>>) target(%dma_start3A_86 : memref<104x32xf32, #tpu.memory_space<vmem>>) offsets(%dma_start3A_88 : memref<104xi32, #tpu.memory_space<vmem>>) semaphore(%arg10 : memref<!tpu.dma_semaphore, #tpu.memory_space<semaphore_mem>>)
    %dma_start3A_92 = arith.constant 312 : i32
    %dma_start3A_93 = arith.constant 0 : i32
    %dma_start3A_94 = tpu.memref_slice %arg7[%dma_start3A_92, %dma_start3A_93] : memref<832x32xf32, #tpu.memory_space<vmem>> -> memref<104x32xf32, #tpu.memory_space<vmem>>
    %dma_start3A_95 = arith.constant 1144 : i32
    %dma_start3A_96 = tpu.memref_slice %arg5[%dma_start3A_95] : memref<3328xi32, #tpu.memory_space<vmem>> -> memref<104xi32, #tpu.memory_space<vmem>>
    %dma_start3A_97 = arith.constant 0 : i32
    %dma_start3A_98 = arith.constant 0 : i32
    %dma_start3A_99 = tpu.memref_slice %arg3[%dma_start3A_97, %dma_start3A_98] : memref<1000012x32xf32, #tpu.memory_space<hbm>> -> memref<1000012x32xf32, #tpu.memory_space<hbm>>
    tpu.enqueue_indirect_dma source(%dma_start3A_99 : memref<1000012x32xf32, #tpu.memory_space<hbm>>) target(%dma_start3A_94 : memref<104x32xf32, #tpu.memory_space<vmem>>) offsets(%dma_start3A_96 : memref<104xi32, #tpu.memory_space<vmem>>) semaphore(%arg10 : memref<!tpu.dma_semaphore, #tpu.memory_space<semaphore_mem>>)
    %dma_start3A_100 = arith.constant 416 : i32
    %dma_start3A_101 = arith.constant 0 : i32
    %dma_start3A_102 = tpu.memref_slice %arg7[%dma_start3A_100, %dma_start3A_101] : memref<832x32xf32, #tpu.memory_space<vmem>> -> memref<104x32xf32, #tpu.memory_space<vmem>>
    %dma_start3A_103 = arith.constant 1248 : i32
    %dma_start3A_104 = tpu.memref_slice %arg5[%dma_start3A_103] : memref<3328xi32, #tpu.memory_space<vmem>> -> memref<104xi32, #tpu.memory_space<vmem>>
    %dma_start3A_105 = arith.constant 0 : i32
    %dma_start3A_106 = arith.constant 0 : i32
    %dma_start3A_107 = tpu.memref_slice %arg3[%dma_start3A_105, %dma_start3A_106] : memref<1000012x32xf32, #tpu.memory_space<hbm>> -> memref<1000012x32xf32, #tpu.memory_space<hbm>>
    tpu.enqueue_indirect_dma source(%dma_start3A_107 : memref<1000012x32xf32, #tpu.memory_space<hbm>>) target(%dma_start3A_102 : memref<104x32xf32, #tpu.memory_space<vmem>>) offsets(%dma_start3A_104 : memref<104xi32, #tpu.memory_space<vmem>>) semaphore(%arg10 : memref<!tpu.dma_semaphore, #tpu.memory_space<semaphore_mem>>)
    %dma_start3A_108 = arith.constant 520 : i32
    %dma_start3A_109 = arith.constant 0 : i32
    %dma_start3A_110 = tpu.memref_slice %arg7[%dma_start3A_108, %dma_start3A_109] : memref<832x32xf32, #tpu.memory_space<vmem>> -> memref<104x32xf32, #tpu.memory_space<vmem>>
    %dma_start3A_111 = arith.constant 1352 : i32
    %dma_start3A_112 = tpu.memref_slice %arg5[%dma_start3A_111] : memref<3328xi32, #tpu.memory_space<vmem>> -> memref<104xi32, #tpu.memory_space<vmem>>
    %dma_start3A_113 = arith.constant 0 : i32
    %dma_start3A_114 = arith.constant 0 : i32
    %dma_start3A_115 = tpu.memref_slice %arg3[%dma_start3A_113, %dma_start3A_114] : memref<1000012x32xf32, #tpu.memory_space<hbm>> -> memref<1000012x32xf32, #tpu.memory_space<hbm>>
    tpu.enqueue_indirect_dma source(%dma_start3A_115 : memref<1000012x32xf32, #tpu.memory_space<hbm>>) target(%dma_start3A_110 : memref<104x32xf32, #tpu.memory_space<vmem>>) offsets(%dma_start3A_112 : memref<104xi32, #tpu.memory_space<vmem>>) semaphore(%arg10 : memref<!tpu.dma_semaphore, #tpu.memory_space<semaphore_mem>>)
    %dma_start3A_116 = arith.constant 624 : i32
    %dma_start3A_117 = arith.constant 0 : i32
    %dma_start3A_118 = tpu.memref_slice %arg7[%dma_start3A_116, %dma_start3A_117] : memref<832x32xf32, #tpu.memory_space<vmem>> -> memref<104x32xf32, #tpu.memory_space<vmem>>
    %dma_start3A_119 = arith.constant 1456 : i32
    %dma_start3A_120 = tpu.memref_slice %arg5[%dma_start3A_119] : memref<3328xi32, #tpu.memory_space<vmem>> -> memref<104xi32, #tpu.memory_space<vmem>>
    %dma_start3A_121 = arith.constant 0 : i32
    %dma_start3A_122 = arith.constant 0 : i32
    %dma_start3A_123 = tpu.memref_slice %arg3[%dma_start3A_121, %dma_start3A_122] : memref<1000012x32xf32, #tpu.memory_space<hbm>> -> memref<1000012x32xf32, #tpu.memory_space<hbm>>
    tpu.enqueue_indirect_dma source(%dma_start3A_123 : memref<1000012x32xf32, #tpu.memory_space<hbm>>) target(%dma_start3A_118 : memref<104x32xf32, #tpu.memory_space<vmem>>) offsets(%dma_start3A_120 : memref<104xi32, #tpu.memory_space<vmem>>) semaphore(%arg10 : memref<!tpu.dma_semaphore, #tpu.memory_space<semaphore_mem>>)
    %dma_start3A_124 = arith.constant 728 : i32
    %dma_start3A_125 = arith.constant 0 : i32
    %dma_start3A_126 = tpu.memref_slice %arg7[%dma_start3A_124, %dma_start3A_125] : memref<832x32xf32, #tpu.memory_space<vmem>> -> memref<104x32xf32, #tpu.memory_space<vmem>>
    %dma_start3A_127 = arith.constant 1560 : i32
    %dma_start3A_128 = tpu.memref_slice %arg5[%dma_start3A_127] : memref<3328xi32, #tpu.memory_space<vmem>> -> memref<104xi32, #tpu.memory_space<vmem>>
    %dma_start3A_129 = arith.constant 0 : i32
    %dma_start3A_130 = arith.constant 0 : i32
    %dma_start3A_131 = tpu.memref_slice %arg3[%dma_start3A_129, %dma_start3A_130] : memref<1000012x32xf32, #tpu.memory_space<hbm>> -> memref<1000012x32xf32, #tpu.memory_space<hbm>>
    tpu.enqueue_indirect_dma source(%dma_start3A_131 : memref<1000012x32xf32, #tpu.memory_space<hbm>>) target(%dma_start3A_126 : memref<104x32xf32, #tpu.memory_space<vmem>>) offsets(%dma_start3A_128 : memref<104xi32, #tpu.memory_space<vmem>>) semaphore(%arg10 : memref<!tpu.dma_semaphore, #tpu.memory_space<semaphore_mem>>)
    %dma_wait3A = arith.constant 0 : i32
    %dma_wait3A_132 = arith.constant 0 : i32
    %dma_wait3A_133 = tpu.memref_slice %arg6[%dma_wait3A, %dma_wait3A_132] : memref<832x32xf32, #tpu.memory_space<vmem>> -> memref<104x32xf32, #tpu.memory_space<vmem>>
    %dma_wait3A_134 = arith.constant 0 : i32
    %dma_wait3A_135 = tpu.memref_slice %arg5[%dma_wait3A_134] : memref<3328xi32, #tpu.memory_space<vmem>> -> memref<104xi32, #tpu.memory_space<vmem>>
    %dma_wait3A_136 = arith.constant 0 : i32
    %dma_wait3A_137 = arith.constant 0 : i32
    %dma_wait3A_138 = tpu.memref_slice %arg3[%dma_wait3A_136, %dma_wait3A_137] : memref<1000012x32xf32, #tpu.memory_space<hbm>> -> memref<1000012x32xf32, #tpu.memory_space<hbm>>
    tpu.wait_indirect_dma semaphore(%arg9 : memref<!tpu.dma_semaphore, #tpu.memory_space<semaphore_mem>>) src(%dma_wait3A_138 : memref<1000012x32xf32, #tpu.memory_space<hbm>>) dst(%dma_wait3A_133 : memref<104x32xf32, #tpu.memory_space<vmem>>)
    %dma_wait3A_139 = arith.constant 104 : i32
    %dma_wait3A_140 = arith.constant 0 : i32
    %dma_wait3A_141 = tpu.memref_slice %arg6[%dma_wait3A_139, %dma_wait3A_140] : memref<832x32xf32, #tpu.memory_space<vmem>> -> memref<104x32xf32, #tpu.memory_space<vmem>>
    %dma_wait3A_142 = arith.constant 104 : i32
    %dma_wait3A_143 = tpu.memref_slice %arg5[%dma_wait3A_142] : memref<3328xi32, #tpu.memory_space<vmem>> -> memref<104xi32, #tpu.memory_space<vmem>>
    %dma_wait3A_144 = arith.constant 0 : i32
    %dma_wait3A_145 = arith.constant 0 : i32
    %dma_wait3A_146 = tpu.memref_slice %arg3[%dma_wait3A_144, %dma_wait3A_145] : memref<1000012x32xf32, #tpu.memory_space<hbm>> -> memref<1000012x32xf32, #tpu.memory_space<hbm>>
    tpu.wait_indirect_dma semaphore(%arg9 : memref<!tpu.dma_semaphore, #tpu.memory_space<semaphore_mem>>) src(%dma_wait3A_146 : memref<1000012x32xf32, #tpu.memory_space<hbm>>) dst(%dma_wait3A_141 : memref<104x32xf32, #tpu.memory_space<vmem>>)
    %dma_wait3A_147 = arith.constant 208 : i32
    %dma_wait3A_148 = arith.constant 0 : i32
    %dma_wait3A_149 = tpu.memref_slice %arg6[%dma_wait3A_147, %dma_wait3A_148] : memref<832x32xf32, #tpu.memory_space<vmem>> -> memref<104x32xf32, #tpu.memory_space<vmem>>
    %dma_wait3A_150 = arith.constant 208 : i32
    %dma_wait3A_151 = tpu.memref_slice %arg5[%dma_wait3A_150] : memref<3328xi32, #tpu.memory_space<vmem>> -> memref<104xi32, #tpu.memory_space<vmem>>
    %dma_wait3A_152 = arith.constant 0 : i32
    %dma_wait3A_153 = arith.constant 0 : i32
    %dma_wait3A_154 = tpu.memref_slice %arg3[%dma_wait3A_152, %dma_wait3A_153] : memref<1000012x32xf32, #tpu.memory_space<hbm>> -> memref<1000012x32xf32, #tpu.memory_space<hbm>>
    tpu.wait_indirect_dma semaphore(%arg9 : memref<!tpu.dma_semaphore, #tpu.memory_space<semaphore_mem>>) src(%dma_wait3A_154 : memref<1000012x32xf32, #tpu.memory_space<hbm>>) dst(%dma_wait3A_149 : memref<104x32xf32, #tpu.memory_space<vmem>>)
    %dma_wait3A_155 = arith.constant 312 : i32
    %dma_wait3A_156 = arith.constant 0 : i32
    %dma_wait3A_157 = tpu.memref_slice %arg6[%dma_wait3A_155, %dma_wait3A_156] : memref<832x32xf32, #tpu.memory_space<vmem>> -> memref<104x32xf32, #tpu.memory_space<vmem>>
    %dma_wait3A_158 = arith.constant 312 : i32
    %dma_wait3A_159 = tpu.memref_slice %arg5[%dma_wait3A_158] : memref<3328xi32, #tpu.memory_space<vmem>> -> memref<104xi32, #tpu.memory_space<vmem>>
    %dma_wait3A_160 = arith.constant 0 : i32
    %dma_wait3A_161 = arith.constant 0 : i32
    %dma_wait3A_162 = tpu.memref_slice %arg3[%dma_wait3A_160, %dma_wait3A_161] : memref<1000012x32xf32, #tpu.memory_space<hbm>> -> memref<1000012x32xf32, #tpu.memory_space<hbm>>
    tpu.wait_indirect_dma semaphore(%arg9 : memref<!tpu.dma_semaphore, #tpu.memory_space<semaphore_mem>>) src(%dma_wait3A_162 : memref<1000012x32xf32, #tpu.memory_space<hbm>>) dst(%dma_wait3A_157 : memref<104x32xf32, #tpu.memory_space<vmem>>)
    %dma_wait3A_163 = arith.constant 416 : i32
    %dma_wait3A_164 = arith.constant 0 : i32
    %dma_wait3A_165 = tpu.memref_slice %arg6[%dma_wait3A_163, %dma_wait3A_164] : memref<832x32xf32, #tpu.memory_space<vmem>> -> memref<104x32xf32, #tpu.memory_space<vmem>>
    %dma_wait3A_166 = arith.constant 416 : i32
    %dma_wait3A_167 = tpu.memref_slice %arg5[%dma_wait3A_166] : memref<3328xi32, #tpu.memory_space<vmem>> -> memref<104xi32, #tpu.memory_space<vmem>>
    %dma_wait3A_168 = arith.constant 0 : i32
    %dma_wait3A_169 = arith.constant 0 : i32
    %dma_wait3A_170 = tpu.memref_slice %arg3[%dma_wait3A_168, %dma_wait3A_169] : memref<1000012x32xf32, #tpu.memory_space<hbm>> -> memref<1000012x32xf32, #tpu.memory_space<hbm>>
    tpu.wait_indirect_dma semaphore(%arg9 : memref<!tpu.dma_semaphore, #tpu.memory_space<semaphore_mem>>) src(%dma_wait3A_170 : memref<1000012x32xf32, #tpu.memory_space<hbm>>) dst(%dma_wait3A_165 : memref<104x32xf32, #tpu.memory_space<vmem>>)
    %dma_wait3A_171 = arith.constant 520 : i32
    %dma_wait3A_172 = arith.constant 0 : i32
    %dma_wait3A_173 = tpu.memref_slice %arg6[%dma_wait3A_171, %dma_wait3A_172] : memref<832x32xf32, #tpu.memory_space<vmem>> -> memref<104x32xf32, #tpu.memory_space<vmem>>
    %dma_wait3A_174 = arith.constant 520 : i32
    %dma_wait3A_175 = tpu.memref_slice %arg5[%dma_wait3A_174] : memref<3328xi32, #tpu.memory_space<vmem>> -> memref<104xi32, #tpu.memory_space<vmem>>
    %dma_wait3A_176 = arith.constant 0 : i32
    %dma_wait3A_177 = arith.constant 0 : i32
    %dma_wait3A_178 = tpu.memref_slice %arg3[%dma_wait3A_176, %dma_wait3A_177] : memref<1000012x32xf32, #tpu.memory_space<hbm>> -> memref<1000012x32xf32, #tpu.memory_space<hbm>>
    tpu.wait_indirect_dma semaphore(%arg9 : memref<!tpu.dma_semaphore, #tpu.memory_space<semaphore_mem>>) src(%dma_wait3A_178 : memref<1000012x32xf32, #tpu.memory_space<hbm>>) dst(%dma_wait3A_173 : memref<104x32xf32, #tpu.memory_space<vmem>>)
    %dma_wait3A_179 = arith.constant 624 : i32
    %dma_wait3A_180 = arith.constant 0 : i32
    %dma_wait3A_181 = tpu.memref_slice %arg6[%dma_wait3A_179, %dma_wait3A_180] : memref<832x32xf32, #tpu.memory_space<vmem>> -> memref<104x32xf32, #tpu.memory_space<vmem>>
    %dma_wait3A_182 = arith.constant 624 : i32
    %dma_wait3A_183 = tpu.memref_slice %arg5[%dma_wait3A_182] : memref<3328xi32, #tpu.memory_space<vmem>> -> memref<104xi32, #tpu.memory_space<vmem>>
    %dma_wait3A_184 = arith.constant 0 : i32
    %dma_wait3A_185 = arith.constant 0 : i32
    %dma_wait3A_186 = tpu.memref_slice %arg3[%dma_wait3A_184, %dma_wait3A_185] : memref<1000012x32xf32, #tpu.memory_space<hbm>> -> memref<1000012x32xf32, #tpu.memory_space<hbm>>
    tpu.wait_indirect_dma semaphore(%arg9 : memref<!tpu.dma_semaphore, #tpu.memory_space<semaphore_mem>>) src(%dma_wait3A_186 : memref<1000012x32xf32, #tpu.memory_space<hbm>>) dst(%dma_wait3A_181 : memref<104x32xf32, #tpu.memory_space<vmem>>)
    %dma_wait3A_187 = arith.constant 728 : i32
    %dma_wait3A_188 = arith.constant 0 : i32
    %dma_wait3A_189 = tpu.memref_slice %arg6[%dma_wait3A_187, %dma_wait3A_188] : memref<832x32xf32, #tpu.memory_space<vmem>> -> memref<104x32xf32, #tpu.memory_space<vmem>>
    %dma_wait3A_190 = arith.constant 728 : i32
    %dma_wait3A_191 = tpu.memref_slice %arg5[%dma_wait3A_190] : memref<3328xi32, #tpu.memory_space<vmem>> -> memref<104xi32, #tpu.memory_space<vmem>>
    %dma_wait3A_192 = arith.constant 0 : i32
    %dma_wait3A_193 = arith.constant 0 : i32
    %dma_wait3A_194 = tpu.memref_slice %arg3[%dma_wait3A_192, %dma_wait3A_193] : memref<1000012x32xf32, #tpu.memory_space<hbm>> -> memref<1000012x32xf32, #tpu.memory_space<hbm>>
    tpu.wait_indirect_dma semaphore(%arg9 : memref<!tpu.dma_semaphore, #tpu.memory_space<semaphore_mem>>) src(%dma_wait3A_194 : memref<1000012x32xf32, #tpu.memory_space<hbm>>) dst(%dma_wait3A_189 : memref<104x32xf32, #tpu.memory_space<vmem>>)
    %scan3A = arith.constant 0 : i32
    %scan3A_195 = arith.constant 832 : i32
    %scan3A_196 = arith.addi %scan3A, %scan3A_195 : i32
    %scan3A_197 = arith.constant 1 : i32
    scf.for %scan3A_534 = %scan3A to %scan3A_196 step %scan3A_197  : i32 {
      %mul3A_535 = arith.constant 1 : i32
      %mul3A_536 = arith.muli %scan3A_534, %mul3A_535 : i32
      %add3A_537 = arith.constant 0 : i32
      %add3A_538 = arith.addi %add3A_537, %mul3A_536 : i32
      %jit3A = arith.constant 8 : i32
      %div3A = arith.divsi %add3A_538, %jit3A : i32
      %sign3A = arith.constant 0 : i32
      %sign3A_539 = arith.cmpi sgt, %add3A_538, %sign3A : i32
      %sign3A_540 = arith.extui %sign3A_539 : i1 to i32
      %sign3A_541 = arith.constant 0 : i32
      %sign3A_542 = arith.cmpi slt, %add3A_538, %sign3A_541 : i32
      %sign3A_543 = arith.extui %sign3A_542 : i1 to i32
      %sign3A_544 = arith.subi %sign3A_540, %sign3A_543 : i32
      %sign3A_545 = arith.constant 0 : i32
      %sign3A_546 = arith.cmpi sgt, %jit3A, %sign3A_545 : i32
      %sign3A_547 = arith.extui %sign3A_546 : i1 to i32
      %sign3A_548 = arith.constant 0 : i32
      %sign3A_549 = arith.cmpi slt, %jit3A, %sign3A_548 : i32
      %sign3A_550 = arith.extui %sign3A_549 : i1 to i32
      %sign3A_551 = arith.subi %sign3A_547, %sign3A_550 : i32
      %ne3A = arith.cmpi ne, %sign3A_544, %sign3A_551 : i32
      %rem3A = arith.remsi %add3A_538, %jit3A : i32
      %ne3A_552 = arith.constant 0 : i32
      %ne3A_553 = arith.cmpi ne, %rem3A, %ne3A_552 : i32
      %and3A = arith.andi %ne3A, %ne3A_553 : i1
      %sub3A = arith.constant 1 : i32
      %sub3A_554 = arith.subi %div3A, %sub3A : i32
      %select_n3A = arith.select %and3A, %sub3A_554, %div3A : i32
      %jit3A_555 = arith.constant 8 : i32
      %eq3A = arith.constant 0 : i32
      %eq3A_556 = arith.cmpi eq, %jit3A_555, %eq3A : i32
      %jit3A_557 = arith.constant 1 : i32
      %select_n3A_558 = arith.select %eq3A_556, %jit3A_557, %jit3A_555 : i32
      %rem3A_559 = arith.remsi %add3A_538, %select_n3A_558 : i32
      %ne3A_560 = arith.constant 0 : i32
      %ne3A_561 = arith.cmpi ne, %rem3A_559, %ne3A_560 : i32
      %lt3A = arith.constant 0 : i32
      %lt3A_562 = arith.cmpi slt, %rem3A_559, %lt3A : i32
      %lt3A_563 = arith.constant 0 : i32
      %lt3A_564 = arith.cmpi slt, %select_n3A_558, %lt3A_563 : i32
      %ne3A_565 = arith.xori %lt3A_562, %lt3A_564 : i1
      %and3A_566 = arith.andi %ne3A_565, %ne3A_561 : i1
      %add3A_567 = arith.addi %rem3A_559, %select_n3A_558 : i32
      %select_n3A_568 = arith.select %and3A_566, %add3A_567, %rem3A_559 : i32
      %jit3A_569 = arith.constant 26 : i32
      %div3A_570 = arith.divsi %select_n3A, %jit3A_569 : i32
      %sign3A_571 = arith.constant 0 : i32
      %sign3A_572 = arith.cmpi sgt, %select_n3A, %sign3A_571 : i32
      %sign3A_573 = arith.extui %sign3A_572 : i1 to i32
      %sign3A_574 = arith.constant 0 : i32
      %sign3A_575 = arith.cmpi slt, %select_n3A, %sign3A_574 : i32
      %sign3A_576 = arith.extui %sign3A_575 : i1 to i32
      %sign3A_577 = arith.subi %sign3A_573, %sign3A_576 : i32
      %sign3A_578 = arith.constant 0 : i32
      %sign3A_579 = arith.cmpi sgt, %jit3A_569, %sign3A_578 : i32
      %sign3A_580 = arith.extui %sign3A_579 : i1 to i32
      %sign3A_581 = arith.constant 0 : i32
      %sign3A_582 = arith.cmpi slt, %jit3A_569, %sign3A_581 : i32
      %sign3A_583 = arith.extui %sign3A_582 : i1 to i32
      %sign3A_584 = arith.subi %sign3A_580, %sign3A_583 : i32
      %ne3A_585 = arith.cmpi ne, %sign3A_577, %sign3A_584 : i32
      %rem3A_586 = arith.remsi %select_n3A, %jit3A_569 : i32
      %ne3A_587 = arith.constant 0 : i32
      %ne3A_588 = arith.cmpi ne, %rem3A_586, %ne3A_587 : i32
      %and3A_589 = arith.andi %ne3A_585, %ne3A_588 : i1
      %sub3A_590 = arith.constant 1 : i32
      %sub3A_591 = arith.subi %div3A_570, %sub3A_590 : i32
      %select_n3A_592 = arith.select %and3A_589, %sub3A_591, %div3A_570 : i32
      %mul3A_593 = arith.constant 26 : i32
      %mul3A_594 = arith.muli %select_n3A_592, %mul3A_593 : i32
      %sub3A_595 = arith.subi %select_n3A, %mul3A_594 : i32
      %mul3A_596 = arith.constant 8 : i32
      %mul3A_597 = arith.muli %mul3A_596, %select_n3A_592 : i32
      %add3A_598 = arith.addi %mul3A_597, %select_n3A_568 : i32
      %iota3A = tpu.iota {dimensions = array<i32: 0>} : vector<16xi32>
      %broadcast_in_dim3A = vector.broadcast %add3A_598 : i32 to vector<16xi32>
      %add3A_599 = arith.constant 0 : i32
      %add3A_600 = vector.broadcast %add3A_599 : i32 to vector<16xi32>
      %add3A_601 = arith.addi %iota3A, %add3A_600 : vector<16xi32>
      %mul3A_602 = arith.constant 26 : i32
      %mul3A_603 = vector.broadcast %mul3A_602 : i32 to vector<16xi32>
      %mul3A_604 = arith.muli %add3A_601, %mul3A_603 : vector<16xi32>
      %add3A_605 = vector.broadcast %sub3A_595 : i32 to vector<16xi32>
      %add3A_606 = arith.addi %mul3A_604, %add3A_605 : vector<16xi32>
      %gather3A = tpu.vector_load_idx %arg6[%add3A_606, %broadcast_in_dim3A] : memref<832x32xf32, #tpu.memory_space<vmem>>[vector<16xi32>, vector<16xi32>], vector<16xf32>,
      %swap3A = arith.index_cast %select_n3A : i32 to index
      %swap3A_607 = arith.index_cast %select_n3A_568 : i32 to index
      %swap3A_608 = arith.constant 0 : index
      %swap3A_609 = tpu.vector_load %arg8[%swap3A, %swap3A_607, %swap3A_608] {strides = array<i32>} : memref<104x8x32xf32, #tpu.memory_space<vmem>>, vector<16xf32>,
      tpu.vector_store %arg8[%swap3A, %swap3A_607, %swap3A_608], %gather3A {strides = array<i32>} : memref<104x8x32xf32, #tpu.memory_space<vmem>>, vector<16xf32>,
      %add3A_610 = arith.constant 16 : i32
      %add3A_611 = vector.broadcast %add3A_610 : i32 to vector<16xi32>
      %add3A_612 = arith.addi %iota3A, %add3A_611 : vector<16xi32>
      %mul3A_613 = arith.constant 26 : i32
      %mul3A_614 = vector.broadcast %mul3A_613 : i32 to vector<16xi32>
      %mul3A_615 = arith.muli %add3A_612, %mul3A_614 : vector<16xi32>
      %add3A_616 = vector.broadcast %sub3A_595 : i32 to vector<16xi32>
      %add3A_617 = arith.addi %mul3A_615, %add3A_616 : vector<16xi32>
      %gather3A_618 = tpu.vector_load_idx %arg6[%add3A_617, %broadcast_in_dim3A] : memref<832x32xf32, #tpu.memory_space<vmem>>[vector<16xi32>, vector<16xi32>], vector<16xf32>,
      %swap3A_619 = arith.index_cast %select_n3A : i32 to index
      %swap3A_620 = arith.index_cast %select_n3A_568 : i32 to index
      %swap3A_621 = arith.constant 16 : index
      %swap3A_622 = tpu.vector_load %arg8[%swap3A_619, %swap3A_620, %swap3A_621] {strides = array<i32>} : memref<104x8x32xf32, #tpu.memory_space<vmem>>, vector<16xf32>,
      tpu.vector_store %arg8[%swap3A_619, %swap3A_620, %swap3A_621], %gather3A_618 {strides = array<i32>} : memref<104x8x32xf32, #tpu.memory_space<vmem>>, vector<16xf32>,
    }
    %scan3A_198 = arith.constant 832 : i32
    "tpu.region"() ({
      %run_scoped3A = tpu.sem_alloc : memref<!tpu.dma_semaphore, #tpu.memory_space<semaphore_mem>>
      %dma_start3A_534 = arith.constant 0 : i32
      %dma_start3A_535 = arith.constant 0 : i32
      %dma_start3A_536 = arith.constant 0 : i32
      %dma_start3A_537 = tpu.memref_slice %arg4[%dma_start3A_534, %add3A, %dma_start3A_535, %dma_start3A_536] : memref<104x32x8x128xf32, #tpu.memory_space<hbm>> -> memref<104x1x8x32xf32, #tpu.memory_space<hbm>>
      %dma_start3A_538 = tpu.memref_squeeze %dma_start3A_537 : memref<104x1x8x32xf32, #tpu.memory_space<hbm>> -> memref<104x8x32xf32, #tpu.memory_space<hbm>>
      %dma_start3A_539 = arith.constant 0 : i32
      %dma_start3A_540 = arith.constant 0 : i32
      %dma_start3A_541 = arith.constant 0 : i32
      %dma_start3A_542 = tpu.memref_slice %arg4[%dma_start3A_539, %add3A, %dma_start3A_540, %dma_start3A_541] : memref<104x32x8x128xf32, #tpu.memory_space<hbm>> -> memref<104x1x8x32xf32, #tpu.memory_space<hbm>>
      %dma_start3A_543 = tpu.memref_squeeze %dma_start3A_542 : memref<104x1x8x32xf32, #tpu.memory_space<hbm>> -> memref<104x8x32xf32, #tpu.memory_space<hbm>>
      tpu.enqueue_dma source(%arg8 : memref<104x8x32xf32, #tpu.memory_space<vmem>>) target(%dma_start3A_543 : memref<104x8x32xf32, #tpu.memory_space<hbm>>) target_semaphore(%run_scoped3A : memref<!tpu.dma_semaphore, #tpu.memory_space<semaphore_mem>>)
      %dma_wait3A_544 = arith.constant 0 : i32
      %dma_wait3A_545 = arith.constant 0 : i32
      %dma_wait3A_546 = arith.constant 0 : i32
      %dma_wait3A_547 = tpu.memref_slice %arg4[%dma_wait3A_544, %add3A, %dma_wait3A_545, %dma_wait3A_546] : memref<104x32x8x128xf32, #tpu.memory_space<hbm>> -> memref<104x1x8x32xf32, #tpu.memory_space<hbm>>
      %dma_wait3A_548 = tpu.memref_squeeze %dma_wait3A_547 : memref<104x1x8x32xf32, #tpu.memory_space<hbm>> -> memref<104x8x32xf32, #tpu.memory_space<hbm>>
      %dma_wait3A_549 = arith.constant 0 : i32
      %dma_wait3A_550 = arith.constant 0 : i32
      %dma_wait3A_551 = arith.constant 0 : i32
      %dma_wait3A_552 = tpu.memref_slice %arg4[%dma_wait3A_549, %add3A, %dma_wait3A_550, %dma_wait3A_551] : memref<104x32x8x128xf32, #tpu.memory_space<hbm>> -> memref<104x1x8x32xf32, #tpu.memory_space<hbm>>
      %dma_wait3A_553 = tpu.memref_squeeze %dma_wait3A_552 : memref<104x1x8x32xf32, #tpu.memory_space<hbm>> -> memref<104x8x32xf32, #tpu.memory_space<hbm>>
      tpu.wait_dma2 semaphore(%run_scoped3A : memref<!tpu.dma_semaphore, #tpu.memory_space<semaphore_mem>>) src(%arg8 : memref<104x8x32xf32, #tpu.memory_space<vmem>>) dst(%dma_wait3A_553 : memref<104x8x32xf32, #tpu.memory_space<hbm>>)
      tpu.yield
    }) : () -> ()
    %dma_start3A_199 = arith.constant 0 : i32
    %dma_start3A_200 = arith.constant 0 : i32
    %dma_start3A_201 = tpu.memref_slice %arg6[%dma_start3A_199, %dma_start3A_200] : memref<832x32xf32, #tpu.memory_space<vmem>> -> memref<104x32xf32, #tpu.memory_space<vmem>>
    %dma_start3A_202 = arith.constant 1664 : i32
    %dma_start3A_203 = tpu.memref_slice %arg5[%dma_start3A_202] : memref<3328xi32, #tpu.memory_space<vmem>> -> memref<104xi32, #tpu.memory_space<vmem>>
    %dma_start3A_204 = arith.constant 0 : i32
    %dma_start3A_205 = arith.constant 0 : i32
    %dma_start3A_206 = tpu.memref_slice %arg3[%dma_start3A_204, %dma_start3A_205] : memref<1000012x32xf32, #tpu.memory_space<hbm>> -> memref<1000012x32xf32, #tpu.memory_space<hbm>>
    tpu.enqueue_indirect_dma source(%dma_start3A_206 : memref<1000012x32xf32, #tpu.memory_space<hbm>>) target(%dma_start3A_201 : memref<104x32xf32, #tpu.memory_space<vmem>>) offsets(%dma_start3A_203 : memref<104xi32, #tpu.memory_space<vmem>>) semaphore(%arg9 : memref<!tpu.dma_semaphore, #tpu.memory_space<semaphore_mem>>)
    %dma_start3A_207 = arith.constant 104 : i32
    %dma_start3A_208 = arith.constant 0 : i32
    %dma_start3A_209 = tpu.memref_slice %arg6[%dma_start3A_207, %dma_start3A_208] : memref<832x32xf32, #tpu.memory_space<vmem>> -> memref<104x32xf32, #tpu.memory_space<vmem>>
    %dma_start3A_210 = arith.constant 1768 : i32
    %dma_start3A_211 = tpu.memref_slice %arg5[%dma_start3A_210] : memref<3328xi32, #tpu.memory_space<vmem>> -> memref<104xi32, #tpu.memory_space<vmem>>
    %dma_start3A_212 = arith.constant 0 : i32
    %dma_start3A_213 = arith.constant 0 : i32
    %dma_start3A_214 = tpu.memref_slice %arg3[%dma_start3A_212, %dma_start3A_213] : memref<1000012x32xf32, #tpu.memory_space<hbm>> -> memref<1000012x32xf32, #tpu.memory_space<hbm>>
    tpu.enqueue_indirect_dma source(%dma_start3A_214 : memref<1000012x32xf32, #tpu.memory_space<hbm>>) target(%dma_start3A_209 : memref<104x32xf32, #tpu.memory_space<vmem>>) offsets(%dma_start3A_211 : memref<104xi32, #tpu.memory_space<vmem>>) semaphore(%arg9 : memref<!tpu.dma_semaphore, #tpu.memory_space<semaphore_mem>>)
    %dma_start3A_215 = arith.constant 208 : i32
    %dma_start3A_216 = arith.constant 0 : i32
    %dma_start3A_217 = tpu.memref_slice %arg6[%dma_start3A_215, %dma_start3A_216] : memref<832x32xf32, #tpu.memory_space<vmem>> -> memref<104x32xf32, #tpu.memory_space<vmem>>
    %dma_start3A_218 = arith.constant 1872 : i32
    %dma_start3A_219 = tpu.memref_slice %arg5[%dma_start3A_218] : memref<3328xi32, #tpu.memory_space<vmem>> -> memref<104xi32, #tpu.memory_space<vmem>>
    %dma_start3A_220 = arith.constant 0 : i32
    %dma_start3A_221 = arith.constant 0 : i32
    %dma_start3A_222 = tpu.memref_slice %arg3[%dma_start3A_220, %dma_start3A_221] : memref<1000012x32xf32, #tpu.memory_space<hbm>> -> memref<1000012x32xf32, #tpu.memory_space<hbm>>
    tpu.enqueue_indirect_dma source(%dma_start3A_222 : memref<1000012x32xf32, #tpu.memory_space<hbm>>) target(%dma_start3A_217 : memref<104x32xf32, #tpu.memory_space<vmem>>) offsets(%dma_start3A_219 : memref<104xi32, #tpu.memory_space<vmem>>) semaphore(%arg9 : memref<!tpu.dma_semaphore, #tpu.memory_space<semaphore_mem>>)
    %dma_start3A_223 = arith.constant 312 : i32
    %dma_start3A_224 = arith.constant 0 : i32
    %dma_start3A_225 = tpu.memref_slice %arg6[%dma_start3A_223, %dma_start3A_224] : memref<832x32xf32, #tpu.memory_space<vmem>> -> memref<104x32xf32, #tpu.memory_space<vmem>>
    %dma_start3A_226 = arith.constant 1976 : i32
    %dma_start3A_227 = tpu.memref_slice %arg5[%dma_start3A_226] : memref<3328xi32, #tpu.memory_space<vmem>> -> memref<104xi32, #tpu.memory_space<vmem>>
    %dma_start3A_228 = arith.constant 0 : i32
    %dma_start3A_229 = arith.constant 0 : i32
    %dma_start3A_230 = tpu.memref_slice %arg3[%dma_start3A_228, %dma_start3A_229] : memref<1000012x32xf32, #tpu.memory_space<hbm>> -> memref<1000012x32xf32, #tpu.memory_space<hbm>>
    tpu.enqueue_indirect_dma source(%dma_start3A_230 : memref<1000012x32xf32, #tpu.memory_space<hbm>>) target(%dma_start3A_225 : memref<104x32xf32, #tpu.memory_space<vmem>>) offsets(%dma_start3A_227 : memref<104xi32, #tpu.memory_space<vmem>>) semaphore(%arg9 : memref<!tpu.dma_semaphore, #tpu.memory_space<semaphore_mem>>)
    %dma_start3A_231 = arith.constant 416 : i32
    %dma_start3A_232 = arith.constant 0 : i32
    %dma_start3A_233 = tpu.memref_slice %arg6[%dma_start3A_231, %dma_start3A_232] : memref<832x32xf32, #tpu.memory_space<vmem>> -> memref<104x32xf32, #tpu.memory_space<vmem>>
    %dma_start3A_234 = arith.constant 2080 : i32
    %dma_start3A_235 = tpu.memref_slice %arg5[%dma_start3A_234] : memref<3328xi32, #tpu.memory_space<vmem>> -> memref<104xi32, #tpu.memory_space<vmem>>
    %dma_start3A_236 = arith.constant 0 : i32
    %dma_start3A_237 = arith.constant 0 : i32
    %dma_start3A_238 = tpu.memref_slice %arg3[%dma_start3A_236, %dma_start3A_237] : memref<1000012x32xf32, #tpu.memory_space<hbm>> -> memref<1000012x32xf32, #tpu.memory_space<hbm>>
    tpu.enqueue_indirect_dma source(%dma_start3A_238 : memref<1000012x32xf32, #tpu.memory_space<hbm>>) target(%dma_start3A_233 : memref<104x32xf32, #tpu.memory_space<vmem>>) offsets(%dma_start3A_235 : memref<104xi32, #tpu.memory_space<vmem>>) semaphore(%arg9 : memref<!tpu.dma_semaphore, #tpu.memory_space<semaphore_mem>>)
    %dma_start3A_239 = arith.constant 520 : i32
    %dma_start3A_240 = arith.constant 0 : i32
    %dma_start3A_241 = tpu.memref_slice %arg6[%dma_start3A_239, %dma_start3A_240] : memref<832x32xf32, #tpu.memory_space<vmem>> -> memref<104x32xf32, #tpu.memory_space<vmem>>
    %dma_start3A_242 = arith.constant 2184 : i32
    %dma_start3A_243 = tpu.memref_slice %arg5[%dma_start3A_242] : memref<3328xi32, #tpu.memory_space<vmem>> -> memref<104xi32, #tpu.memory_space<vmem>>
    %dma_start3A_244 = arith.constant 0 : i32
    %dma_start3A_245 = arith.constant 0 : i32
    %dma_start3A_246 = tpu.memref_slice %arg3[%dma_start3A_244, %dma_start3A_245] : memref<1000012x32xf32, #tpu.memory_space<hbm>> -> memref<1000012x32xf32, #tpu.memory_space<hbm>>
    tpu.enqueue_indirect_dma source(%dma_start3A_246 : memref<1000012x32xf32, #tpu.memory_space<hbm>>) target(%dma_start3A_241 : memref<104x32xf32, #tpu.memory_space<vmem>>) offsets(%dma_start3A_243 : memref<104xi32, #tpu.memory_space<vmem>>) semaphore(%arg9 : memref<!tpu.dma_semaphore, #tpu.memory_space<semaphore_mem>>)
    %dma_start3A_247 = arith.constant 624 : i32
    %dma_start3A_248 = arith.constant 0 : i32
    %dma_start3A_249 = tpu.memref_slice %arg6[%dma_start3A_247, %dma_start3A_248] : memref<832x32xf32, #tpu.memory_space<vmem>> -> memref<104x32xf32, #tpu.memory_space<vmem>>
    %dma_start3A_250 = arith.constant 2288 : i32
    %dma_start3A_251 = tpu.memref_slice %arg5[%dma_start3A_250] : memref<3328xi32, #tpu.memory_space<vmem>> -> memref<104xi32, #tpu.memory_space<vmem>>
    %dma_start3A_252 = arith.constant 0 : i32
    %dma_start3A_253 = arith.constant 0 : i32
    %dma_start3A_254 = tpu.memref_slice %arg3[%dma_start3A_252, %dma_start3A_253] : memref<1000012x32xf32, #tpu.memory_space<hbm>> -> memref<1000012x32xf32, #tpu.memory_space<hbm>>
    tpu.enqueue_indirect_dma source(%dma_start3A_254 : memref<1000012x32xf32, #tpu.memory_space<hbm>>) target(%dma_start3A_249 : memref<104x32xf32, #tpu.memory_space<vmem>>) offsets(%dma_start3A_251 : memref<104xi32, #tpu.memory_space<vmem>>) semaphore(%arg9 : memref<!tpu.dma_semaphore, #tpu.memory_space<semaphore_mem>>)
    %dma_start3A_255 = arith.constant 728 : i32
    %dma_start3A_256 = arith.constant 0 : i32
    %dma_start3A_257 = tpu.memref_slice %arg6[%dma_start3A_255, %dma_start3A_256] : memref<832x32xf32, #tpu.memory_space<vmem>> -> memref<104x32xf32, #tpu.memory_space<vmem>>
    %dma_start3A_258 = arith.constant 2392 : i32
    %dma_start3A_259 = tpu.memref_slice %arg5[%dma_start3A_258] : memref<3328xi32, #tpu.memory_space<vmem>> -> memref<104xi32, #tpu.memory_space<vmem>>
    %dma_start3A_260 = arith.constant 0 : i32
    %dma_start3A_261 = arith.constant 0 : i32
    %dma_start3A_262 = tpu.memref_slice %arg3[%dma_start3A_260, %dma_start3A_261] : memref<1000012x32xf32, #tpu.memory_space<hbm>> -> memref<1000012x32xf32, #tpu.memory_space<hbm>>
    tpu.enqueue_indirect_dma source(%dma_start3A_262 : memref<1000012x32xf32, #tpu.memory_space<hbm>>) target(%dma_start3A_257 : memref<104x32xf32, #tpu.memory_space<vmem>>) offsets(%dma_start3A_259 : memref<104xi32, #tpu.memory_space<vmem>>) semaphore(%arg9 : memref<!tpu.dma_semaphore, #tpu.memory_space<semaphore_mem>>)
    %dma_wait3A_263 = arith.constant 0 : i32
    %dma_wait3A_264 = arith.constant 0 : i32
    %dma_wait3A_265 = tpu.memref_slice %arg7[%dma_wait3A_263, %dma_wait3A_264] : memref<832x32xf32, #tpu.memory_space<vmem>> -> memref<104x32xf32, #tpu.memory_space<vmem>>
    %dma_wait3A_266 = arith.constant 832 : i32
    %dma_wait3A_267 = tpu.memref_slice %arg5[%dma_wait3A_266] : memref<3328xi32, #tpu.memory_space<vmem>> -> memref<104xi32, #tpu.memory_space<vmem>>
    %dma_wait3A_268 = arith.constant 0 : i32
    %dma_wait3A_269 = arith.constant 0 : i32
    %dma_wait3A_270 = tpu.memref_slice %arg3[%dma_wait3A_268, %dma_wait3A_269] : memref<1000012x32xf32, #tpu.memory_space<hbm>> -> memref<1000012x32xf32, #tpu.memory_space<hbm>>
    tpu.wait_indirect_dma semaphore(%arg10 : memref<!tpu.dma_semaphore, #tpu.memory_space<semaphore_mem>>) src(%dma_wait3A_270 : memref<1000012x32xf32, #tpu.memory_space<hbm>>) dst(%dma_wait3A_265 : memref<104x32xf32, #tpu.memory_space<vmem>>)
    %dma_wait3A_271 = arith.constant 104 : i32
    %dma_wait3A_272 = arith.constant 0 : i32
    %dma_wait3A_273 = tpu.memref_slice %arg7[%dma_wait3A_271, %dma_wait3A_272] : memref<832x32xf32, #tpu.memory_space<vmem>> -> memref<104x32xf32, #tpu.memory_space<vmem>>
    %dma_wait3A_274 = arith.constant 936 : i32
    %dma_wait3A_275 = tpu.memref_slice %arg5[%dma_wait3A_274] : memref<3328xi32, #tpu.memory_space<vmem>> -> memref<104xi32, #tpu.memory_space<vmem>>
    %dma_wait3A_276 = arith.constant 0 : i32
    %dma_wait3A_277 = arith.constant 0 : i32
    %dma_wait3A_278 = tpu.memref_slice %arg3[%dma_wait3A_276, %dma_wait3A_277] : memref<1000012x32xf32, #tpu.memory_space<hbm>> -> memref<1000012x32xf32, #tpu.memory_space<hbm>>
    tpu.wait_indirect_dma semaphore(%arg10 : memref<!tpu.dma_semaphore, #tpu.memory_space<semaphore_mem>>) src(%dma_wait3A_278 : memref<1000012x32xf32, #tpu.memory_space<hbm>>) dst(%dma_wait3A_273 : memref<104x32xf32, #tpu.memory_space<vmem>>)
    %dma_wait3A_279 = arith.constant 208 : i32
    %dma_wait3A_280 = arith.constant 0 : i32
    %dma_wait3A_281 = tpu.memref_slice %arg7[%dma_wait3A_279, %dma_wait3A_280] : memref<832x32xf32, #tpu.memory_space<vmem>> -> memref<104x32xf32, #tpu.memory_space<vmem>>
    %dma_wait3A_282 = arith.constant 1040 : i32
    %dma_wait3A_283 = tpu.memref_slice %arg5[%dma_wait3A_282] : memref<3328xi32, #tpu.memory_space<vmem>> -> memref<104xi32, #tpu.memory_space<vmem>>
    %dma_wait3A_284 = arith.constant 0 : i32
    %dma_wait3A_285 = arith.constant 0 : i32
    %dma_wait3A_286 = tpu.memref_slice %arg3[%dma_wait3A_284, %dma_wait3A_285] : memref<1000012x32xf32, #tpu.memory_space<hbm>> -> memref<1000012x32xf32, #tpu.memory_space<hbm>>
    tpu.wait_indirect_dma semaphore(%arg10 : memref<!tpu.dma_semaphore, #tpu.memory_space<semaphore_mem>>) src(%dma_wait3A_286 : memref<1000012x32xf32, #tpu.memory_space<hbm>>) dst(%dma_wait3A_281 : memref<104x32xf32, #tpu.memory_space<vmem>>)
    %dma_wait3A_287 = arith.constant 312 : i32
    %dma_wait3A_288 = arith.constant 0 : i32
    %dma_wait3A_289 = tpu.memref_slice %arg7[%dma_wait3A_287, %dma_wait3A_288] : memref<832x32xf32, #tpu.memory_space<vmem>> -> memref<104x32xf32, #tpu.memory_space<vmem>>
    %dma_wait3A_290 = arith.constant 1144 : i32
    %dma_wait3A_291 = tpu.memref_slice %arg5[%dma_wait3A_290] : memref<3328xi32, #tpu.memory_space<vmem>> -> memref<104xi32, #tpu.memory_space<vmem>>
    %dma_wait3A_292 = arith.constant 0 : i32
    %dma_wait3A_293 = arith.constant 0 : i32
    %dma_wait3A_294 = tpu.memref_slice %arg3[%dma_wait3A_292, %dma_wait3A_293] : memref<1000012x32xf32, #tpu.memory_space<hbm>> -> memref<1000012x32xf32, #tpu.memory_space<hbm>>
    tpu.wait_indirect_dma semaphore(%arg10 : memref<!tpu.dma_semaphore, #tpu.memory_space<semaphore_mem>>) src(%dma_wait3A_294 : memref<1000012x32xf32, #tpu.memory_space<hbm>>) dst(%dma_wait3A_289 : memref<104x32xf32, #tpu.memory_space<vmem>>)
    %dma_wait3A_295 = arith.constant 416 : i32
    %dma_wait3A_296 = arith.constant 0 : i32
    %dma_wait3A_297 = tpu.memref_slice %arg7[%dma_wait3A_295, %dma_wait3A_296] : memref<832x32xf32, #tpu.memory_space<vmem>> -> memref<104x32xf32, #tpu.memory_space<vmem>>
    %dma_wait3A_298 = arith.constant 1248 : i32
    %dma_wait3A_299 = tpu.memref_slice %arg5[%dma_wait3A_298] : memref<3328xi32, #tpu.memory_space<vmem>> -> memref<104xi32, #tpu.memory_space<vmem>>
    %dma_wait3A_300 = arith.constant 0 : i32
    %dma_wait3A_301 = arith.constant 0 : i32
    %dma_wait3A_302 = tpu.memref_slice %arg3[%dma_wait3A_300, %dma_wait3A_301] : memref<1000012x32xf32, #tpu.memory_space<hbm>> -> memref<1000012x32xf32, #tpu.memory_space<hbm>>
    tpu.wait_indirect_dma semaphore(%arg10 : memref<!tpu.dma_semaphore, #tpu.memory_space<semaphore_mem>>) src(%dma_wait3A_302 : memref<1000012x32xf32, #tpu.memory_space<hbm>>) dst(%dma_wait3A_297 : memref<104x32xf32, #tpu.memory_space<vmem>>)
    %dma_wait3A_303 = arith.constant 520 : i32
    %dma_wait3A_304 = arith.constant 0 : i32
    %dma_wait3A_305 = tpu.memref_slice %arg7[%dma_wait3A_303, %dma_wait3A_304] : memref<832x32xf32, #tpu.memory_space<vmem>> -> memref<104x32xf32, #tpu.memory_space<vmem>>
    %dma_wait3A_306 = arith.constant 1352 : i32
    %dma_wait3A_307 = tpu.memref_slice %arg5[%dma_wait3A_306] : memref<3328xi32, #tpu.memory_space<vmem>> -> memref<104xi32, #tpu.memory_space<vmem>>
    %dma_wait3A_308 = arith.constant 0 : i32
    %dma_wait3A_309 = arith.constant 0 : i32
    %dma_wait3A_310 = tpu.memref_slice %arg3[%dma_wait3A_308, %dma_wait3A_309] : memref<1000012x32xf32, #tpu.memory_space<hbm>> -> memref<1000012x32xf32, #tpu.memory_space<hbm>>
    tpu.wait_indirect_dma semaphore(%arg10 : memref<!tpu.dma_semaphore, #tpu.memory_space<semaphore_mem>>) src(%dma_wait3A_310 : memref<1000012x32xf32, #tpu.memory_space<hbm>>) dst(%dma_wait3A_305 : memref<104x32xf32, #tpu.memory_space<vmem>>)
    %dma_wait3A_311 = arith.constant 624 : i32
    %dma_wait3A_312 = arith.constant 0 : i32
    %dma_wait3A_313 = tpu.memref_slice %arg7[%dma_wait3A_311, %dma_wait3A_312] : memref<832x32xf32, #tpu.memory_space<vmem>> -> memref<104x32xf32, #tpu.memory_space<vmem>>
    %dma_wait3A_314 = arith.constant 1456 : i32
    %dma_wait3A_315 = tpu.memref_slice %arg5[%dma_wait3A_314] : memref<3328xi32, #tpu.memory_space<vmem>> -> memref<104xi32, #tpu.memory_space<vmem>>
    %dma_wait3A_316 = arith.constant 0 : i32
    %dma_wait3A_317 = arith.constant 0 : i32
    %dma_wait3A_318 = tpu.memref_slice %arg3[%dma_wait3A_316, %dma_wait3A_317] : memref<1000012x32xf32, #tpu.memory_space<hbm>> -> memref<1000012x32xf32, #tpu.memory_space<hbm>>
    tpu.wait_indirect_dma semaphore(%arg10 : memref<!tpu.dma_semaphore, #tpu.memory_space<semaphore_mem>>) src(%dma_wait3A_318 : memref<1000012x32xf32, #tpu.memory_space<hbm>>) dst(%dma_wait3A_313 : memref<104x32xf32, #tpu.memory_space<vmem>>)
    %dma_wait3A_319 = arith.constant 728 : i32
    %dma_wait3A_320 = arith.constant 0 : i32
    %dma_wait3A_321 = tpu.memref_slice %arg7[%dma_wait3A_319, %dma_wait3A_320] : memref<832x32xf32, #tpu.memory_space<vmem>> -> memref<104x32xf32, #tpu.memory_space<vmem>>
    %dma_wait3A_322 = arith.constant 1560 : i32
    %dma_wait3A_323 = tpu.memref_slice %arg5[%dma_wait3A_322] : memref<3328xi32, #tpu.memory_space<vmem>> -> memref<104xi32, #tpu.memory_space<vmem>>
    %dma_wait3A_324 = arith.constant 0 : i32
    %dma_wait3A_325 = arith.constant 0 : i32
    %dma_wait3A_326 = tpu.memref_slice %arg3[%dma_wait3A_324, %dma_wait3A_325] : memref<1000012x32xf32, #tpu.memory_space<hbm>> -> memref<1000012x32xf32, #tpu.memory_space<hbm>>
    tpu.wait_indirect_dma semaphore(%arg10 : memref<!tpu.dma_semaphore, #tpu.memory_space<semaphore_mem>>) src(%dma_wait3A_326 : memref<1000012x32xf32, #tpu.memory_space<hbm>>) dst(%dma_wait3A_321 : memref<104x32xf32, #tpu.memory_space<vmem>>)
    %scan3A_327 = arith.constant 0 : i32
    %scan3A_328 = arith.constant 832 : i32
    %scan3A_329 = arith.addi %scan3A_327, %scan3A_328 : i32
    %scan3A_330 = arith.constant 1 : i32
    scf.for %scan3A_534 = %scan3A_327 to %scan3A_329 step %scan3A_330  : i32 {
      %mul3A_535 = arith.constant 1 : i32
      %mul3A_536 = arith.muli %scan3A_534, %mul3A_535 : i32
      %add3A_537 = arith.constant 0 : i32
      %add3A_538 = arith.addi %add3A_537, %mul3A_536 : i32
      %jit3A = arith.constant 8 : i32
      %div3A = arith.divsi %add3A_538, %jit3A : i32
      %sign3A = arith.constant 0 : i32
      %sign3A_539 = arith.cmpi sgt, %add3A_538, %sign3A : i32
      %sign3A_540 = arith.extui %sign3A_539 : i1 to i32
      %sign3A_541 = arith.constant 0 : i32
      %sign3A_542 = arith.cmpi slt, %add3A_538, %sign3A_541 : i32
      %sign3A_543 = arith.extui %sign3A_542 : i1 to i32
      %sign3A_544 = arith.subi %sign3A_540, %sign3A_543 : i32
      %sign3A_545 = arith.constant 0 : i32
      %sign3A_546 = arith.cmpi sgt, %jit3A, %sign3A_545 : i32
      %sign3A_547 = arith.extui %sign3A_546 : i1 to i32
      %sign3A_548 = arith.constant 0 : i32
      %sign3A_549 = arith.cmpi slt, %jit3A, %sign3A_548 : i32
      %sign3A_550 = arith.extui %sign3A_549 : i1 to i32
      %sign3A_551 = arith.subi %sign3A_547, %sign3A_550 : i32
      %ne3A = arith.cmpi ne, %sign3A_544, %sign3A_551 : i32
      %rem3A = arith.remsi %add3A_538, %jit3A : i32
      %ne3A_552 = arith.constant 0 : i32
      %ne3A_553 = arith.cmpi ne, %rem3A, %ne3A_552 : i32
      %and3A = arith.andi %ne3A, %ne3A_553 : i1
      %sub3A = arith.constant 1 : i32
      %sub3A_554 = arith.subi %div3A, %sub3A : i32
      %select_n3A = arith.select %and3A, %sub3A_554, %div3A : i32
      %jit3A_555 = arith.constant 8 : i32
      %eq3A = arith.constant 0 : i32
      %eq3A_556 = arith.cmpi eq, %jit3A_555, %eq3A : i32
      %jit3A_557 = arith.constant 1 : i32
      %select_n3A_558 = arith.select %eq3A_556, %jit3A_557, %jit3A_555 : i32
      %rem3A_559 = arith.remsi %add3A_538, %select_n3A_558 : i32
      %ne3A_560 = arith.constant 0 : i32
      %ne3A_561 = arith.cmpi ne, %rem3A_559, %ne3A_560 : i32
      %lt3A = arith.constant 0 : i32
      %lt3A_562 = arith.cmpi slt, %rem3A_559, %lt3A : i32
      %lt3A_563 = arith.constant 0 : i32
      %lt3A_564 = arith.cmpi slt, %select_n3A_558, %lt3A_563 : i32
      %ne3A_565 = arith.xori %lt3A_562, %lt3A_564 : i1
      %and3A_566 = arith.andi %ne3A_565, %ne3A_561 : i1
      %add3A_567 = arith.addi %rem3A_559, %select_n3A_558 : i32
      %select_n3A_568 = arith.select %and3A_566, %add3A_567, %rem3A_559 : i32
      %jit3A_569 = arith.constant 26 : i32
      %div3A_570 = arith.divsi %select_n3A, %jit3A_569 : i32
      %sign3A_571 = arith.constant 0 : i32
      %sign3A_572 = arith.cmpi sgt, %select_n3A, %sign3A_571 : i32
      %sign3A_573 = arith.extui %sign3A_572 : i1 to i32
      %sign3A_574 = arith.constant 0 : i32
      %sign3A_575 = arith.cmpi slt, %select_n3A, %sign3A_574 : i32
      %sign3A_576 = arith.extui %sign3A_575 : i1 to i32
      %sign3A_577 = arith.subi %sign3A_573, %sign3A_576 : i32
      %sign3A_578 = arith.constant 0 : i32
      %sign3A_579 = arith.cmpi sgt, %jit3A_569, %sign3A_578 : i32
      %sign3A_580 = arith.extui %sign3A_579 : i1 to i32
      %sign3A_581 = arith.constant 0 : i32
      %sign3A_582 = arith.cmpi slt, %jit3A_569, %sign3A_581 : i32
      %sign3A_583 = arith.extui %sign3A_582 : i1 to i32
      %sign3A_584 = arith.subi %sign3A_580, %sign3A_583 : i32
      %ne3A_585 = arith.cmpi ne, %sign3A_577, %sign3A_584 : i32
      %rem3A_586 = arith.remsi %select_n3A, %jit3A_569 : i32
      %ne3A_587 = arith.constant 0 : i32
      %ne3A_588 = arith.cmpi ne, %rem3A_586, %ne3A_587 : i32
      %and3A_589 = arith.andi %ne3A_585, %ne3A_588 : i1
      %sub3A_590 = arith.constant 1 : i32
      %sub3A_591 = arith.subi %div3A_570, %sub3A_590 : i32
      %select_n3A_592 = arith.select %and3A_589, %sub3A_591, %div3A_570 : i32
      %mul3A_593 = arith.constant 26 : i32
      %mul3A_594 = arith.muli %select_n3A_592, %mul3A_593 : i32
      %sub3A_595 = arith.subi %select_n3A, %mul3A_594 : i32
      %mul3A_596 = arith.constant 8 : i32
      %mul3A_597 = arith.muli %mul3A_596, %select_n3A_592 : i32
      %add3A_598 = arith.addi %mul3A_597, %select_n3A_568 : i32
      %iota3A = tpu.iota {dimensions = array<i32: 0>} : vector<16xi32>
      %broadcast_in_dim3A = vector.broadcast %add3A_598 : i32 to vector<16xi32>
      %add3A_599 = arith.constant 0 : i32
      %add3A_600 = vector.broadcast %add3A_599 : i32 to vector<16xi32>
      %add3A_601 = arith.addi %iota3A, %add3A_600 : vector<16xi32>
      %mul3A_602 = arith.constant 26 : i32
      %mul3A_603 = vector.broadcast %mul3A_602 : i32 to vector<16xi32>
      %mul3A_604 = arith.muli %add3A_601, %mul3A_603 : vector<16xi32>
      %add3A_605 = vector.broadcast %sub3A_595 : i32 to vector<16xi32>
      %add3A_606 = arith.addi %mul3A_604, %add3A_605 : vector<16xi32>
      %gather3A = tpu.vector_load_idx %arg7[%add3A_606, %broadcast_in_dim3A] : memref<832x32xf32, #tpu.memory_space<vmem>>[vector<16xi32>, vector<16xi32>], vector<16xf32>,
      %swap3A = arith.index_cast %select_n3A : i32 to index
      %swap3A_607 = arith.index_cast %select_n3A_568 : i32 to index
      %swap3A_608 = arith.constant 0 : index
      %swap3A_609 = tpu.vector_load %arg8[%swap3A, %swap3A_607, %swap3A_608] {strides = array<i32>} : memref<104x8x32xf32, #tpu.memory_space<vmem>>, vector<16xf32>,
      tpu.vector_store %arg8[%swap3A, %swap3A_607, %swap3A_608], %gather3A {strides = array<i32>} : memref<104x8x32xf32, #tpu.memory_space<vmem>>, vector<16xf32>,
      %add3A_610 = arith.constant 16 : i32
      %add3A_611 = vector.broadcast %add3A_610 : i32 to vector<16xi32>
      %add3A_612 = arith.addi %iota3A, %add3A_611 : vector<16xi32>
      %mul3A_613 = arith.constant 26 : i32
      %mul3A_614 = vector.broadcast %mul3A_613 : i32 to vector<16xi32>
      %mul3A_615 = arith.muli %add3A_612, %mul3A_614 : vector<16xi32>
      %add3A_616 = vector.broadcast %sub3A_595 : i32 to vector<16xi32>
      %add3A_617 = arith.addi %mul3A_615, %add3A_616 : vector<16xi32>
      %gather3A_618 = tpu.vector_load_idx %arg7[%add3A_617, %broadcast_in_dim3A] : memref<832x32xf32, #tpu.memory_space<vmem>>[vector<16xi32>, vector<16xi32>], vector<16xf32>,
      %swap3A_619 = arith.index_cast %select_n3A : i32 to index
      %swap3A_620 = arith.index_cast %select_n3A_568 : i32 to index
      %swap3A_621 = arith.constant 16 : index
      %swap3A_622 = tpu.vector_load %arg8[%swap3A_619, %swap3A_620, %swap3A_621] {strides = array<i32>} : memref<104x8x32xf32, #tpu.memory_space<vmem>>, vector<16xf32>,
      tpu.vector_store %arg8[%swap3A_619, %swap3A_620, %swap3A_621], %gather3A_618 {strides = array<i32>} : memref<104x8x32xf32, #tpu.memory_space<vmem>>, vector<16xf32>,
    }
    %scan3A_331 = arith.constant 832 : i32
    "tpu.region"() ({
      %run_scoped3A = tpu.sem_alloc : memref<!tpu.dma_semaphore, #tpu.memory_space<semaphore_mem>>
      %dma_start3A_534 = arith.constant 0 : i32
      %dma_start3A_535 = arith.constant 0 : i32
      %dma_start3A_536 = arith.constant 32 : i32
      %dma_start3A_537 = tpu.memref_slice %arg4[%dma_start3A_534, %add3A, %dma_start3A_535, %dma_start3A_536] : memref<104x32x8x128xf32, #tpu.memory_space<hbm>> -> memref<104x1x8x32xf32, #tpu.memory_space<hbm>>
      %dma_start3A_538 = tpu.memref_squeeze %dma_start3A_537 : memref<104x1x8x32xf32, #tpu.memory_space<hbm>> -> memref<104x8x32xf32, #tpu.memory_space<hbm>>
      %dma_start3A_539 = arith.constant 0 : i32
      %dma_start3A_540 = arith.constant 0 : i32
      %dma_start3A_541 = arith.constant 32 : i32
      %dma_start3A_542 = tpu.memref_slice %arg4[%dma_start3A_539, %add3A, %dma_start3A_540, %dma_start3A_541] : memref<104x32x8x128xf32, #tpu.memory_space<hbm>> -> memref<104x1x8x32xf32, #tpu.memory_space<hbm>>
      %dma_start3A_543 = tpu.memref_squeeze %dma_start3A_542 : memref<104x1x8x32xf32, #tpu.memory_space<hbm>> -> memref<104x8x32xf32, #tpu.memory_space<hbm>>
      tpu.enqueue_dma source(%arg8 : memref<104x8x32xf32, #tpu.memory_space<vmem>>) target(%dma_start3A_543 : memref<104x8x32xf32, #tpu.memory_space<hbm>>) target_semaphore(%run_scoped3A : memref<!tpu.dma_semaphore, #tpu.memory_space<semaphore_mem>>)
      %dma_wait3A_544 = arith.constant 0 : i32
      %dma_wait3A_545 = arith.constant 0 : i32
      %dma_wait3A_546 = arith.constant 32 : i32
      %dma_wait3A_547 = tpu.memref_slice %arg4[%dma_wait3A_544, %add3A, %dma_wait3A_545, %dma_wait3A_546] : memref<104x32x8x128xf32, #tpu.memory_space<hbm>> -> memref<104x1x8x32xf32, #tpu.memory_space<hbm>>
      %dma_wait3A_548 = tpu.memref_squeeze %dma_wait3A_547 : memref<104x1x8x32xf32, #tpu.memory_space<hbm>> -> memref<104x8x32xf32, #tpu.memory_space<hbm>>
      %dma_wait3A_549 = arith.constant 0 : i32
      %dma_wait3A_550 = arith.constant 0 : i32
      %dma_wait3A_551 = arith.constant 32 : i32
      %dma_wait3A_552 = tpu.memref_slice %arg4[%dma_wait3A_549, %add3A, %dma_wait3A_550, %dma_wait3A_551] : memref<104x32x8x128xf32, #tpu.memory_space<hbm>> -> memref<104x1x8x32xf32, #tpu.memory_space<hbm>>
      %dma_wait3A_553 = tpu.memref_squeeze %dma_wait3A_552 : memref<104x1x8x32xf32, #tpu.memory_space<hbm>> -> memref<104x8x32xf32, #tpu.memory_space<hbm>>
      tpu.wait_dma2 semaphore(%run_scoped3A : memref<!tpu.dma_semaphore, #tpu.memory_space<semaphore_mem>>) src(%arg8 : memref<104x8x32xf32, #tpu.memory_space<vmem>>) dst(%dma_wait3A_553 : memref<104x8x32xf32, #tpu.memory_space<hbm>>)
      tpu.yield
    }) : () -> ()
    %dma_start3A_332 = arith.constant 0 : i32
    %dma_start3A_333 = arith.constant 0 : i32
    %dma_start3A_334 = tpu.memref_slice %arg7[%dma_start3A_332, %dma_start3A_333] : memref<832x32xf32, #tpu.memory_space<vmem>> -> memref<104x32xf32, #tpu.memory_space<vmem>>
    %dma_start3A_335 = arith.constant 2496 : i32
    %dma_start3A_336 = tpu.memref_slice %arg5[%dma_start3A_335] : memref<3328xi32, #tpu.memory_space<vmem>> -> memref<104xi32, #tpu.memory_space<vmem>>
    %dma_start3A_337 = arith.constant 0 : i32
    %dma_start3A_338 = arith.constant 0 : i32
    %dma_start3A_339 = tpu.memref_slice %arg3[%dma_start3A_337, %dma_start3A_338] : memref<1000012x32xf32, #tpu.memory_space<hbm>> -> memref<1000012x32xf32, #tpu.memory_space<hbm>>
    tpu.enqueue_indirect_dma source(%dma_start3A_339 : memref<1000012x32xf32, #tpu.memory_space<hbm>>) target(%dma_start3A_334 : memref<104x32xf32, #tpu.memory_space<vmem>>) offsets(%dma_start3A_336 : memref<104xi32, #tpu.memory_space<vmem>>) semaphore(%arg10 : memref<!tpu.dma_semaphore, #tpu.memory_space<semaphore_mem>>)
    %dma_start3A_340 = arith.constant 104 : i32
    %dma_start3A_341 = arith.constant 0 : i32
    %dma_start3A_342 = tpu.memref_slice %arg7[%dma_start3A_340, %dma_start3A_341] : memref<832x32xf32, #tpu.memory_space<vmem>> -> memref<104x32xf32, #tpu.memory_space<vmem>>
    %dma_start3A_343 = arith.constant 2600 : i32
    %dma_start3A_344 = tpu.memref_slice %arg5[%dma_start3A_343] : memref<3328xi32, #tpu.memory_space<vmem>> -> memref<104xi32, #tpu.memory_space<vmem>>
    %dma_start3A_345 = arith.constant 0 : i32
    %dma_start3A_346 = arith.constant 0 : i32
    %dma_start3A_347 = tpu.memref_slice %arg3[%dma_start3A_345, %dma_start3A_346] : memref<1000012x32xf32, #tpu.memory_space<hbm>> -> memref<1000012x32xf32, #tpu.memory_space<hbm>>
    tpu.enqueue_indirect_dma source(%dma_start3A_347 : memref<1000012x32xf32, #tpu.memory_space<hbm>>) target(%dma_start3A_342 : memref<104x32xf32, #tpu.memory_space<vmem>>) offsets(%dma_start3A_344 : memref<104xi32, #tpu.memory_space<vmem>>) semaphore(%arg10 : memref<!tpu.dma_semaphore, #tpu.memory_space<semaphore_mem>>)
    %dma_start3A_348 = arith.constant 208 : i32
    %dma_start3A_349 = arith.constant 0 : i32
    %dma_start3A_350 = tpu.memref_slice %arg7[%dma_start3A_348, %dma_start3A_349] : memref<832x32xf32, #tpu.memory_space<vmem>> -> memref<104x32xf32, #tpu.memory_space<vmem>>
    %dma_start3A_351 = arith.constant 2704 : i32
    %dma_start3A_352 = tpu.memref_slice %arg5[%dma_start3A_351] : memref<3328xi32, #tpu.memory_space<vmem>> -> memref<104xi32, #tpu.memory_space<vmem>>
    %dma_start3A_353 = arith.constant 0 : i32
    %dma_start3A_354 = arith.constant 0 : i32
    %dma_start3A_355 = tpu.memref_slice %arg3[%dma_start3A_353, %dma_start3A_354] : memref<1000012x32xf32, #tpu.memory_space<hbm>> -> memref<1000012x32xf32, #tpu.memory_space<hbm>>
    tpu.enqueue_indirect_dma source(%dma_start3A_355 : memref<1000012x32xf32, #tpu.memory_space<hbm>>) target(%dma_start3A_350 : memref<104x32xf32, #tpu.memory_space<vmem>>) offsets(%dma_start3A_352 : memref<104xi32, #tpu.memory_space<vmem>>) semaphore(%arg10 : memref<!tpu.dma_semaphore, #tpu.memory_space<semaphore_mem>>)
    %dma_start3A_356 = arith.constant 312 : i32
    %dma_start3A_357 = arith.constant 0 : i32
    %dma_start3A_358 = tpu.memref_slice %arg7[%dma_start3A_356, %dma_start3A_357] : memref<832x32xf32, #tpu.memory_space<vmem>> -> memref<104x32xf32, #tpu.memory_space<vmem>>
    %dma_start3A_359 = arith.constant 2808 : i32
    %dma_start3A_360 = tpu.memref_slice %arg5[%dma_start3A_359] : memref<3328xi32, #tpu.memory_space<vmem>> -> memref<104xi32, #tpu.memory_space<vmem>>
    %dma_start3A_361 = arith.constant 0 : i32
    %dma_start3A_362 = arith.constant 0 : i32
    %dma_start3A_363 = tpu.memref_slice %arg3[%dma_start3A_361, %dma_start3A_362] : memref<1000012x32xf32, #tpu.memory_space<hbm>> -> memref<1000012x32xf32, #tpu.memory_space<hbm>>
    tpu.enqueue_indirect_dma source(%dma_start3A_363 : memref<1000012x32xf32, #tpu.memory_space<hbm>>) target(%dma_start3A_358 : memref<104x32xf32, #tpu.memory_space<vmem>>) offsets(%dma_start3A_360 : memref<104xi32, #tpu.memory_space<vmem>>) semaphore(%arg10 : memref<!tpu.dma_semaphore, #tpu.memory_space<semaphore_mem>>)
    %dma_start3A_364 = arith.constant 416 : i32
    %dma_start3A_365 = arith.constant 0 : i32
    %dma_start3A_366 = tpu.memref_slice %arg7[%dma_start3A_364, %dma_start3A_365] : memref<832x32xf32, #tpu.memory_space<vmem>> -> memref<104x32xf32, #tpu.memory_space<vmem>>
    %dma_start3A_367 = arith.constant 2912 : i32
    %dma_start3A_368 = tpu.memref_slice %arg5[%dma_start3A_367] : memref<3328xi32, #tpu.memory_space<vmem>> -> memref<104xi32, #tpu.memory_space<vmem>>
    %dma_start3A_369 = arith.constant 0 : i32
    %dma_start3A_370 = arith.constant 0 : i32
    %dma_start3A_371 = tpu.memref_slice %arg3[%dma_start3A_369, %dma_start3A_370] : memref<1000012x32xf32, #tpu.memory_space<hbm>> -> memref<1000012x32xf32, #tpu.memory_space<hbm>>
    tpu.enqueue_indirect_dma source(%dma_start3A_371 : memref<1000012x32xf32, #tpu.memory_space<hbm>>) target(%dma_start3A_366 : memref<104x32xf32, #tpu.memory_space<vmem>>) offsets(%dma_start3A_368 : memref<104xi32, #tpu.memory_space<vmem>>) semaphore(%arg10 : memref<!tpu.dma_semaphore, #tpu.memory_space<semaphore_mem>>)
    %dma_start3A_372 = arith.constant 520 : i32
    %dma_start3A_373 = arith.constant 0 : i32
    %dma_start3A_374 = tpu.memref_slice %arg7[%dma_start3A_372, %dma_start3A_373] : memref<832x32xf32, #tpu.memory_space<vmem>> -> memref<104x32xf32, #tpu.memory_space<vmem>>
    %dma_start3A_375 = arith.constant 3016 : i32
    %dma_start3A_376 = tpu.memref_slice %arg5[%dma_start3A_375] : memref<3328xi32, #tpu.memory_space<vmem>> -> memref<104xi32, #tpu.memory_space<vmem>>
    %dma_start3A_377 = arith.constant 0 : i32
    %dma_start3A_378 = arith.constant 0 : i32
    %dma_start3A_379 = tpu.memref_slice %arg3[%dma_start3A_377, %dma_start3A_378] : memref<1000012x32xf32, #tpu.memory_space<hbm>> -> memref<1000012x32xf32, #tpu.memory_space<hbm>>
    tpu.enqueue_indirect_dma source(%dma_start3A_379 : memref<1000012x32xf32, #tpu.memory_space<hbm>>) target(%dma_start3A_374 : memref<104x32xf32, #tpu.memory_space<vmem>>) offsets(%dma_start3A_376 : memref<104xi32, #tpu.memory_space<vmem>>) semaphore(%arg10 : memref<!tpu.dma_semaphore, #tpu.memory_space<semaphore_mem>>)
    %dma_start3A_380 = arith.constant 624 : i32
    %dma_start3A_381 = arith.constant 0 : i32
    %dma_start3A_382 = tpu.memref_slice %arg7[%dma_start3A_380, %dma_start3A_381] : memref<832x32xf32, #tpu.memory_space<vmem>> -> memref<104x32xf32, #tpu.memory_space<vmem>>
    %dma_start3A_383 = arith.constant 3120 : i32
    %dma_start3A_384 = tpu.memref_slice %arg5[%dma_start3A_383] : memref<3328xi32, #tpu.memory_space<vmem>> -> memref<104xi32, #tpu.memory_space<vmem>>
    %dma_start3A_385 = arith.constant 0 : i32
    %dma_start3A_386 = arith.constant 0 : i32
    %dma_start3A_387 = tpu.memref_slice %arg3[%dma_start3A_385, %dma_start3A_386] : memref<1000012x32xf32, #tpu.memory_space<hbm>> -> memref<1000012x32xf32, #tpu.memory_space<hbm>>
    tpu.enqueue_indirect_dma source(%dma_start3A_387 : memref<1000012x32xf32, #tpu.memory_space<hbm>>) target(%dma_start3A_382 : memref<104x32xf32, #tpu.memory_space<vmem>>) offsets(%dma_start3A_384 : memref<104xi32, #tpu.memory_space<vmem>>) semaphore(%arg10 : memref<!tpu.dma_semaphore, #tpu.memory_space<semaphore_mem>>)
    %dma_start3A_388 = arith.constant 728 : i32
    %dma_start3A_389 = arith.constant 0 : i32
    %dma_start3A_390 = tpu.memref_slice %arg7[%dma_start3A_388, %dma_start3A_389] : memref<832x32xf32, #tpu.memory_space<vmem>> -> memref<104x32xf32, #tpu.memory_space<vmem>>
    %dma_start3A_391 = arith.constant 3224 : i32
    %dma_start3A_392 = tpu.memref_slice %arg5[%dma_start3A_391] : memref<3328xi32, #tpu.memory_space<vmem>> -> memref<104xi32, #tpu.memory_space<vmem>>
    %dma_start3A_393 = arith.constant 0 : i32
    %dma_start3A_394 = arith.constant 0 : i32
    %dma_start3A_395 = tpu.memref_slice %arg3[%dma_start3A_393, %dma_start3A_394] : memref<1000012x32xf32, #tpu.memory_space<hbm>> -> memref<1000012x32xf32, #tpu.memory_space<hbm>>
    tpu.enqueue_indirect_dma source(%dma_start3A_395 : memref<1000012x32xf32, #tpu.memory_space<hbm>>) target(%dma_start3A_390 : memref<104x32xf32, #tpu.memory_space<vmem>>) offsets(%dma_start3A_392 : memref<104xi32, #tpu.memory_space<vmem>>) semaphore(%arg10 : memref<!tpu.dma_semaphore, #tpu.memory_space<semaphore_mem>>)
    %dma_wait3A_396 = arith.constant 0 : i32
    %dma_wait3A_397 = arith.constant 0 : i32
    %dma_wait3A_398 = tpu.memref_slice %arg6[%dma_wait3A_396, %dma_wait3A_397] : memref<832x32xf32, #tpu.memory_space<vmem>> -> memref<104x32xf32, #tpu.memory_space<vmem>>
    %dma_wait3A_399 = arith.constant 1664 : i32
    %dma_wait3A_400 = tpu.memref_slice %arg5[%dma_wait3A_399] : memref<3328xi32, #tpu.memory_space<vmem>> -> memref<104xi32, #tpu.memory_space<vmem>>
    %dma_wait3A_401 = arith.constant 0 : i32
    %dma_wait3A_402 = arith.constant 0 : i32
    %dma_wait3A_403 = tpu.memref_slice %arg3[%dma_wait3A_401, %dma_wait3A_402] : memref<1000012x32xf32, #tpu.memory_space<hbm>> -> memref<1000012x32xf32, #tpu.memory_space<hbm>>
    tpu.wait_indirect_dma semaphore(%arg9 : memref<!tpu.dma_semaphore, #tpu.memory_space<semaphore_mem>>) src(%dma_wait3A_403 : memref<1000012x32xf32, #tpu.memory_space<hbm>>) dst(%dma_wait3A_398 : memref<104x32xf32, #tpu.memory_space<vmem>>)
    %dma_wait3A_404 = arith.constant 104 : i32
    %dma_wait3A_405 = arith.constant 0 : i32
    %dma_wait3A_406 = tpu.memref_slice %arg6[%dma_wait3A_404, %dma_wait3A_405] : memref<832x32xf32, #tpu.memory_space<vmem>> -> memref<104x32xf32, #tpu.memory_space<vmem>>
    %dma_wait3A_407 = arith.constant 1768 : i32
    %dma_wait3A_408 = tpu.memref_slice %arg5[%dma_wait3A_407] : memref<3328xi32, #tpu.memory_space<vmem>> -> memref<104xi32, #tpu.memory_space<vmem>>
    %dma_wait3A_409 = arith.constant 0 : i32
    %dma_wait3A_410 = arith.constant 0 : i32
    %dma_wait3A_411 = tpu.memref_slice %arg3[%dma_wait3A_409, %dma_wait3A_410] : memref<1000012x32xf32, #tpu.memory_space<hbm>> -> memref<1000012x32xf32, #tpu.memory_space<hbm>>
    tpu.wait_indirect_dma semaphore(%arg9 : memref<!tpu.dma_semaphore, #tpu.memory_space<semaphore_mem>>) src(%dma_wait3A_411 : memref<1000012x32xf32, #tpu.memory_space<hbm>>) dst(%dma_wait3A_406 : memref<104x32xf32, #tpu.memory_space<vmem>>)
    %dma_wait3A_412 = arith.constant 208 : i32
    %dma_wait3A_413 = arith.constant 0 : i32
    %dma_wait3A_414 = tpu.memref_slice %arg6[%dma_wait3A_412, %dma_wait3A_413] : memref<832x32xf32, #tpu.memory_space<vmem>> -> memref<104x32xf32, #tpu.memory_space<vmem>>
    %dma_wait3A_415 = arith.constant 1872 : i32
    %dma_wait3A_416 = tpu.memref_slice %arg5[%dma_wait3A_415] : memref<3328xi32, #tpu.memory_space<vmem>> -> memref<104xi32, #tpu.memory_space<vmem>>
    %dma_wait3A_417 = arith.constant 0 : i32
    %dma_wait3A_418 = arith.constant 0 : i32
    %dma_wait3A_419 = tpu.memref_slice %arg3[%dma_wait3A_417, %dma_wait3A_418] : memref<1000012x32xf32, #tpu.memory_space<hbm>> -> memref<1000012x32xf32, #tpu.memory_space<hbm>>
    tpu.wait_indirect_dma semaphore(%arg9 : memref<!tpu.dma_semaphore, #tpu.memory_space<semaphore_mem>>) src(%dma_wait3A_419 : memref<1000012x32xf32, #tpu.memory_space<hbm>>) dst(%dma_wait3A_414 : memref<104x32xf32, #tpu.memory_space<vmem>>)
    %dma_wait3A_420 = arith.constant 312 : i32
    %dma_wait3A_421 = arith.constant 0 : i32
    %dma_wait3A_422 = tpu.memref_slice %arg6[%dma_wait3A_420, %dma_wait3A_421] : memref<832x32xf32, #tpu.memory_space<vmem>> -> memref<104x32xf32, #tpu.memory_space<vmem>>
    %dma_wait3A_423 = arith.constant 1976 : i32
    %dma_wait3A_424 = tpu.memref_slice %arg5[%dma_wait3A_423] : memref<3328xi32, #tpu.memory_space<vmem>> -> memref<104xi32, #tpu.memory_space<vmem>>
    %dma_wait3A_425 = arith.constant 0 : i32
    %dma_wait3A_426 = arith.constant 0 : i32
    %dma_wait3A_427 = tpu.memref_slice %arg3[%dma_wait3A_425, %dma_wait3A_426] : memref<1000012x32xf32, #tpu.memory_space<hbm>> -> memref<1000012x32xf32, #tpu.memory_space<hbm>>
    tpu.wait_indirect_dma semaphore(%arg9 : memref<!tpu.dma_semaphore, #tpu.memory_space<semaphore_mem>>) src(%dma_wait3A_427 : memref<1000012x32xf32, #tpu.memory_space<hbm>>) dst(%dma_wait3A_422 : memref<104x32xf32, #tpu.memory_space<vmem>>)
    %dma_wait3A_428 = arith.constant 416 : i32
    %dma_wait3A_429 = arith.constant 0 : i32
    %dma_wait3A_430 = tpu.memref_slice %arg6[%dma_wait3A_428, %dma_wait3A_429] : memref<832x32xf32, #tpu.memory_space<vmem>> -> memref<104x32xf32, #tpu.memory_space<vmem>>
    %dma_wait3A_431 = arith.constant 2080 : i32
    %dma_wait3A_432 = tpu.memref_slice %arg5[%dma_wait3A_431] : memref<3328xi32, #tpu.memory_space<vmem>> -> memref<104xi32, #tpu.memory_space<vmem>>
    %dma_wait3A_433 = arith.constant 0 : i32
    %dma_wait3A_434 = arith.constant 0 : i32
    %dma_wait3A_435 = tpu.memref_slice %arg3[%dma_wait3A_433, %dma_wait3A_434] : memref<1000012x32xf32, #tpu.memory_space<hbm>> -> memref<1000012x32xf32, #tpu.memory_space<hbm>>
    tpu.wait_indirect_dma semaphore(%arg9 : memref<!tpu.dma_semaphore, #tpu.memory_space<semaphore_mem>>) src(%dma_wait3A_435 : memref<1000012x32xf32, #tpu.memory_space<hbm>>) dst(%dma_wait3A_430 : memref<104x32xf32, #tpu.memory_space<vmem>>)
    %dma_wait3A_436 = arith.constant 520 : i32
    %dma_wait3A_437 = arith.constant 0 : i32
    %dma_wait3A_438 = tpu.memref_slice %arg6[%dma_wait3A_436, %dma_wait3A_437] : memref<832x32xf32, #tpu.memory_space<vmem>> -> memref<104x32xf32, #tpu.memory_space<vmem>>
    %dma_wait3A_439 = arith.constant 2184 : i32
    %dma_wait3A_440 = tpu.memref_slice %arg5[%dma_wait3A_439] : memref<3328xi32, #tpu.memory_space<vmem>> -> memref<104xi32, #tpu.memory_space<vmem>>
    %dma_wait3A_441 = arith.constant 0 : i32
    %dma_wait3A_442 = arith.constant 0 : i32
    %dma_wait3A_443 = tpu.memref_slice %arg3[%dma_wait3A_441, %dma_wait3A_442] : memref<1000012x32xf32, #tpu.memory_space<hbm>> -> memref<1000012x32xf32, #tpu.memory_space<hbm>>
    tpu.wait_indirect_dma semaphore(%arg9 : memref<!tpu.dma_semaphore, #tpu.memory_space<semaphore_mem>>) src(%dma_wait3A_443 : memref<1000012x32xf32, #tpu.memory_space<hbm>>) dst(%dma_wait3A_438 : memref<104x32xf32, #tpu.memory_space<vmem>>)
    %dma_wait3A_444 = arith.constant 624 : i32
    %dma_wait3A_445 = arith.constant 0 : i32
    %dma_wait3A_446 = tpu.memref_slice %arg6[%dma_wait3A_444, %dma_wait3A_445] : memref<832x32xf32, #tpu.memory_space<vmem>> -> memref<104x32xf32, #tpu.memory_space<vmem>>
    %dma_wait3A_447 = arith.constant 2288 : i32
    %dma_wait3A_448 = tpu.memref_slice %arg5[%dma_wait3A_447] : memref<3328xi32, #tpu.memory_space<vmem>> -> memref<104xi32, #tpu.memory_space<vmem>>
    %dma_wait3A_449 = arith.constant 0 : i32
    %dma_wait3A_450 = arith.constant 0 : i32
    %dma_wait3A_451 = tpu.memref_slice %arg3[%dma_wait3A_449, %dma_wait3A_450] : memref<1000012x32xf32, #tpu.memory_space<hbm>> -> memref<1000012x32xf32, #tpu.memory_space<hbm>>
    tpu.wait_indirect_dma semaphore(%arg9 : memref<!tpu.dma_semaphore, #tpu.memory_space<semaphore_mem>>) src(%dma_wait3A_451 : memref<1000012x32xf32, #tpu.memory_space<hbm>>) dst(%dma_wait3A_446 : memref<104x32xf32, #tpu.memory_space<vmem>>)
    %dma_wait3A_452 = arith.constant 728 : i32
    %dma_wait3A_453 = arith.constant 0 : i32
    %dma_wait3A_454 = tpu.memref_slice %arg6[%dma_wait3A_452, %dma_wait3A_453] : memref<832x32xf32, #tpu.memory_space<vmem>> -> memref<104x32xf32, #tpu.memory_space<vmem>>
    %dma_wait3A_455 = arith.constant 2392 : i32
    %dma_wait3A_456 = tpu.memref_slice %arg5[%dma_wait3A_455] : memref<3328xi32, #tpu.memory_space<vmem>> -> memref<104xi32, #tpu.memory_space<vmem>>
    %dma_wait3A_457 = arith.constant 0 : i32
    %dma_wait3A_458 = arith.constant 0 : i32
    %dma_wait3A_459 = tpu.memref_slice %arg3[%dma_wait3A_457, %dma_wait3A_458] : memref<1000012x32xf32, #tpu.memory_space<hbm>> -> memref<1000012x32xf32, #tpu.memory_space<hbm>>
    tpu.wait_indirect_dma semaphore(%arg9 : memref<!tpu.dma_semaphore, #tpu.memory_space<semaphore_mem>>) src(%dma_wait3A_459 : memref<1000012x32xf32, #tpu.memory_space<hbm>>) dst(%dma_wait3A_454 : memref<104x32xf32, #tpu.memory_space<vmem>>)
    %scan3A_460 = arith.constant 0 : i32
    %scan3A_461 = arith.constant 832 : i32
    %scan3A_462 = arith.addi %scan3A_460, %scan3A_461 : i32
    %scan3A_463 = arith.constant 1 : i32
    scf.for %scan3A_534 = %scan3A_460 to %scan3A_462 step %scan3A_463  : i32 {
      %mul3A_535 = arith.constant 1 : i32
      %mul3A_536 = arith.muli %scan3A_534, %mul3A_535 : i32
      %add3A_537 = arith.constant 0 : i32
      %add3A_538 = arith.addi %add3A_537, %mul3A_536 : i32
      %jit3A = arith.constant 8 : i32
      %div3A = arith.divsi %add3A_538, %jit3A : i32
      %sign3A = arith.constant 0 : i32
      %sign3A_539 = arith.cmpi sgt, %add3A_538, %sign3A : i32
      %sign3A_540 = arith.extui %sign3A_539 : i1 to i32
      %sign3A_541 = arith.constant 0 : i32
      %sign3A_542 = arith.cmpi slt, %add3A_538, %sign3A_541 : i32
      %sign3A_543 = arith.extui %sign3A_542 : i1 to i32
      %sign3A_544 = arith.subi %sign3A_540, %sign3A_543 : i32
      %sign3A_545 = arith.constant 0 : i32
      %sign3A_546 = arith.cmpi sgt, %jit3A, %sign3A_545 : i32
      %sign3A_547 = arith.extui %sign3A_546 : i1 to i32
      %sign3A_548 = arith.constant 0 : i32
      %sign3A_549 = arith.cmpi slt, %jit3A, %sign3A_548 : i32
      %sign3A_550 = arith.extui %sign3A_549 : i1 to i32
      %sign3A_551 = arith.subi %sign3A_547, %sign3A_550 : i32
      %ne3A = arith.cmpi ne, %sign3A_544, %sign3A_551 : i32
      %rem3A = arith.remsi %add3A_538, %jit3A : i32
      %ne3A_552 = arith.constant 0 : i32
      %ne3A_553 = arith.cmpi ne, %rem3A, %ne3A_552 : i32
      %and3A = arith.andi %ne3A, %ne3A_553 : i1
      %sub3A = arith.constant 1 : i32
      %sub3A_554 = arith.subi %div3A, %sub3A : i32
      %select_n3A = arith.select %and3A, %sub3A_554, %div3A : i32
      %jit3A_555 = arith.constant 8 : i32
      %eq3A = arith.constant 0 : i32
      %eq3A_556 = arith.cmpi eq, %jit3A_555, %eq3A : i32
      %jit3A_557 = arith.constant 1 : i32
      %select_n3A_558 = arith.select %eq3A_556, %jit3A_557, %jit3A_555 : i32
      %rem3A_559 = arith.remsi %add3A_538, %select_n3A_558 : i32
      %ne3A_560 = arith.constant 0 : i32
      %ne3A_561 = arith.cmpi ne, %rem3A_559, %ne3A_560 : i32
      %lt3A = arith.constant 0 : i32
      %lt3A_562 = arith.cmpi slt, %rem3A_559, %lt3A : i32
      %lt3A_563 = arith.constant 0 : i32
      %lt3A_564 = arith.cmpi slt, %select_n3A_558, %lt3A_563 : i32
      %ne3A_565 = arith.xori %lt3A_562, %lt3A_564 : i1
      %and3A_566 = arith.andi %ne3A_565, %ne3A_561 : i1
      %add3A_567 = arith.addi %rem3A_559, %select_n3A_558 : i32
      %select_n3A_568 = arith.select %and3A_566, %add3A_567, %rem3A_559 : i32
      %jit3A_569 = arith.constant 26 : i32
      %div3A_570 = arith.divsi %select_n3A, %jit3A_569 : i32
      %sign3A_571 = arith.constant 0 : i32
      %sign3A_572 = arith.cmpi sgt, %select_n3A, %sign3A_571 : i32
      %sign3A_573 = arith.extui %sign3A_572 : i1 to i32
      %sign3A_574 = arith.constant 0 : i32
      %sign3A_575 = arith.cmpi slt, %select_n3A, %sign3A_574 : i32
      %sign3A_576 = arith.extui %sign3A_575 : i1 to i32
      %sign3A_577 = arith.subi %sign3A_573, %sign3A_576 : i32
      %sign3A_578 = arith.constant 0 : i32
      %sign3A_579 = arith.cmpi sgt, %jit3A_569, %sign3A_578 : i32
      %sign3A_580 = arith.extui %sign3A_579 : i1 to i32
      %sign3A_581 = arith.constant 0 : i32
      %sign3A_582 = arith.cmpi slt, %jit3A_569, %sign3A_581 : i32
      %sign3A_583 = arith.extui %sign3A_582 : i1 to i32
      %sign3A_584 = arith.subi %sign3A_580, %sign3A_583 : i32
      %ne3A_585 = arith.cmpi ne, %sign3A_577, %sign3A_584 : i32
      %rem3A_586 = arith.remsi %select_n3A, %jit3A_569 : i32
      %ne3A_587 = arith.constant 0 : i32
      %ne3A_588 = arith.cmpi ne, %rem3A_586, %ne3A_587 : i32
      %and3A_589 = arith.andi %ne3A_585, %ne3A_588 : i1
      %sub3A_590 = arith.constant 1 : i32
      %sub3A_591 = arith.subi %div3A_570, %sub3A_590 : i32
      %select_n3A_592 = arith.select %and3A_589, %sub3A_591, %div3A_570 : i32
      %mul3A_593 = arith.constant 26 : i32
      %mul3A_594 = arith.muli %select_n3A_592, %mul3A_593 : i32
      %sub3A_595 = arith.subi %select_n3A, %mul3A_594 : i32
      %mul3A_596 = arith.constant 8 : i32
      %mul3A_597 = arith.muli %mul3A_596, %select_n3A_592 : i32
      %add3A_598 = arith.addi %mul3A_597, %select_n3A_568 : i32
      %iota3A = tpu.iota {dimensions = array<i32: 0>} : vector<16xi32>
      %broadcast_in_dim3A = vector.broadcast %add3A_598 : i32 to vector<16xi32>
      %add3A_599 = arith.constant 0 : i32
      %add3A_600 = vector.broadcast %add3A_599 : i32 to vector<16xi32>
      %add3A_601 = arith.addi %iota3A, %add3A_600 : vector<16xi32>
      %mul3A_602 = arith.constant 26 : i32
      %mul3A_603 = vector.broadcast %mul3A_602 : i32 to vector<16xi32>
      %mul3A_604 = arith.muli %add3A_601, %mul3A_603 : vector<16xi32>
      %add3A_605 = vector.broadcast %sub3A_595 : i32 to vector<16xi32>
      %add3A_606 = arith.addi %mul3A_604, %add3A_605 : vector<16xi32>
      %gather3A = tpu.vector_load_idx %arg6[%add3A_606, %broadcast_in_dim3A] : memref<832x32xf32, #tpu.memory_space<vmem>>[vector<16xi32>, vector<16xi32>], vector<16xf32>,
      %swap3A = arith.index_cast %select_n3A : i32 to index
      %swap3A_607 = arith.index_cast %select_n3A_568 : i32 to index
      %swap3A_608 = arith.constant 0 : index
      %swap3A_609 = tpu.vector_load %arg8[%swap3A, %swap3A_607, %swap3A_608] {strides = array<i32>} : memref<104x8x32xf32, #tpu.memory_space<vmem>>, vector<16xf32>,
      tpu.vector_store %arg8[%swap3A, %swap3A_607, %swap3A_608], %gather3A {strides = array<i32>} : memref<104x8x32xf32, #tpu.memory_space<vmem>>, vector<16xf32>,
      %add3A_610 = arith.constant 16 : i32
      %add3A_611 = vector.broadcast %add3A_610 : i32 to vector<16xi32>
      %add3A_612 = arith.addi %iota3A, %add3A_611 : vector<16xi32>
      %mul3A_613 = arith.constant 26 : i32
      %mul3A_614 = vector.broadcast %mul3A_613 : i32 to vector<16xi32>
      %mul3A_615 = arith.muli %add3A_612, %mul3A_614 : vector<16xi32>
      %add3A_616 = vector.broadcast %sub3A_595 : i32 to vector<16xi32>
      %add3A_617 = arith.addi %mul3A_615, %add3A_616 : vector<16xi32>
      %gather3A_618 = tpu.vector_load_idx %arg6[%add3A_617, %broadcast_in_dim3A] : memref<832x32xf32, #tpu.memory_space<vmem>>[vector<16xi32>, vector<16xi32>], vector<16xf32>,
      %swap3A_619 = arith.index_cast %select_n3A : i32 to index
      %swap3A_620 = arith.index_cast %select_n3A_568 : i32 to index
      %swap3A_621 = arith.constant 16 : index
      %swap3A_622 = tpu.vector_load %arg8[%swap3A_619, %swap3A_620, %swap3A_621] {strides = array<i32>} : memref<104x8x32xf32, #tpu.memory_space<vmem>>, vector<16xf32>,
      tpu.vector_store %arg8[%swap3A_619, %swap3A_620, %swap3A_621], %gather3A_618 {strides = array<i32>} : memref<104x8x32xf32, #tpu.memory_space<vmem>>, vector<16xf32>,
    }
    %scan3A_464 = arith.constant 832 : i32
    "tpu.region"() ({
      %run_scoped3A = tpu.sem_alloc : memref<!tpu.dma_semaphore, #tpu.memory_space<semaphore_mem>>
      %dma_start3A_534 = arith.constant 0 : i32
      %dma_start3A_535 = arith.constant 0 : i32
      %dma_start3A_536 = arith.constant 64 : i32
      %dma_start3A_537 = tpu.memref_slice %arg4[%dma_start3A_534, %add3A, %dma_start3A_535, %dma_start3A_536] : memref<104x32x8x128xf32, #tpu.memory_space<hbm>> -> memref<104x1x8x32xf32, #tpu.memory_space<hbm>>
      %dma_start3A_538 = tpu.memref_squeeze %dma_start3A_537 : memref<104x1x8x32xf32, #tpu.memory_space<hbm>> -> memref<104x8x32xf32, #tpu.memory_space<hbm>>
      %dma_start3A_539 = arith.constant 0 : i32
      %dma_start3A_540 = arith.constant 0 : i32
      %dma_start3A_541 = arith.constant 64 : i32
      %dma_start3A_542 = tpu.memref_slice %arg4[%dma_start3A_539, %add3A, %dma_start3A_540, %dma_start3A_541] : memref<104x32x8x128xf32, #tpu.memory_space<hbm>> -> memref<104x1x8x32xf32, #tpu.memory_space<hbm>>
      %dma_start3A_543 = tpu.memref_squeeze %dma_start3A_542 : memref<104x1x8x32xf32, #tpu.memory_space<hbm>> -> memref<104x8x32xf32, #tpu.memory_space<hbm>>
      tpu.enqueue_dma source(%arg8 : memref<104x8x32xf32, #tpu.memory_space<vmem>>) target(%dma_start3A_543 : memref<104x8x32xf32, #tpu.memory_space<hbm>>) target_semaphore(%run_scoped3A : memref<!tpu.dma_semaphore, #tpu.memory_space<semaphore_mem>>)
      %dma_wait3A_544 = arith.constant 0 : i32
      %dma_wait3A_545 = arith.constant 0 : i32
      %dma_wait3A_546 = arith.constant 64 : i32
      %dma_wait3A_547 = tpu.memref_slice %arg4[%dma_wait3A_544, %add3A, %dma_wait3A_545, %dma_wait3A_546] : memref<104x32x8x128xf32, #tpu.memory_space<hbm>> -> memref<104x1x8x32xf32, #tpu.memory_space<hbm>>
      %dma_wait3A_548 = tpu.memref_squeeze %dma_wait3A_547 : memref<104x1x8x32xf32, #tpu.memory_space<hbm>> -> memref<104x8x32xf32, #tpu.memory_space<hbm>>
      %dma_wait3A_549 = arith.constant 0 : i32
      %dma_wait3A_550 = arith.constant 0 : i32
      %dma_wait3A_551 = arith.constant 64 : i32
      %dma_wait3A_552 = tpu.memref_slice %arg4[%dma_wait3A_549, %add3A, %dma_wait3A_550, %dma_wait3A_551] : memref<104x32x8x128xf32, #tpu.memory_space<hbm>> -> memref<104x1x8x32xf32, #tpu.memory_space<hbm>>
      %dma_wait3A_553 = tpu.memref_squeeze %dma_wait3A_552 : memref<104x1x8x32xf32, #tpu.memory_space<hbm>> -> memref<104x8x32xf32, #tpu.memory_space<hbm>>
      tpu.wait_dma2 semaphore(%run_scoped3A : memref<!tpu.dma_semaphore, #tpu.memory_space<semaphore_mem>>) src(%arg8 : memref<104x8x32xf32, #tpu.memory_space<vmem>>) dst(%dma_wait3A_553 : memref<104x8x32xf32, #tpu.memory_space<hbm>>)
      tpu.yield
    }) : () -> ()
    %dma_wait3A_465 = arith.constant 0 : i32
    %dma_wait3A_466 = arith.constant 0 : i32
    %dma_wait3A_467 = tpu.memref_slice %arg7[%dma_wait3A_465, %dma_wait3A_466] : memref<832x32xf32, #tpu.memory_space<vmem>> -> memref<104x32xf32, #tpu.memory_space<vmem>>
    %dma_wait3A_468 = arith.constant 2496 : i32
    %dma_wait3A_469 = tpu.memref_slice %arg5[%dma_wait3A_468] : memref<3328xi32, #tpu.memory_space<vmem>> -> memref<104xi32, #tpu.memory_space<vmem>>
    %dma_wait3A_470 = arith.constant 0 : i32
    %dma_wait3A_471 = arith.constant 0 : i32
    %dma_wait3A_472 = tpu.memref_slice %arg3[%dma_wait3A_470, %dma_wait3A_471] : memref<1000012x32xf32, #tpu.memory_space<hbm>> -> memref<1000012x32xf32, #tpu.memory_space<hbm>>
    tpu.wait_indirect_dma semaphore(%arg10 : memref<!tpu.dma_semaphore, #tpu.memory_space<semaphore_mem>>) src(%dma_wait3A_472 : memref<1000012x32xf32, #tpu.memory_space<hbm>>) dst(%dma_wait3A_467 : memref<104x32xf32, #tpu.memory_space<vmem>>)
    %dma_wait3A_473 = arith.constant 104 : i32
    %dma_wait3A_474 = arith.constant 0 : i32
    %dma_wait3A_475 = tpu.memref_slice %arg7[%dma_wait3A_473, %dma_wait3A_474] : memref<832x32xf32, #tpu.memory_space<vmem>> -> memref<104x32xf32, #tpu.memory_space<vmem>>
    %dma_wait3A_476 = arith.constant 2600 : i32
    %dma_wait3A_477 = tpu.memref_slice %arg5[%dma_wait3A_476] : memref<3328xi32, #tpu.memory_space<vmem>> -> memref<104xi32, #tpu.memory_space<vmem>>
    %dma_wait3A_478 = arith.constant 0 : i32
    %dma_wait3A_479 = arith.constant 0 : i32
    %dma_wait3A_480 = tpu.memref_slice %arg3[%dma_wait3A_478, %dma_wait3A_479] : memref<1000012x32xf32, #tpu.memory_space<hbm>> -> memref<1000012x32xf32, #tpu.memory_space<hbm>>
    tpu.wait_indirect_dma semaphore(%arg10 : memref<!tpu.dma_semaphore, #tpu.memory_space<semaphore_mem>>) src(%dma_wait3A_480 : memref<1000012x32xf32, #tpu.memory_space<hbm>>) dst(%dma_wait3A_475 : memref<104x32xf32, #tpu.memory_space<vmem>>)
    %dma_wait3A_481 = arith.constant 208 : i32
    %dma_wait3A_482 = arith.constant 0 : i32
    %dma_wait3A_483 = tpu.memref_slice %arg7[%dma_wait3A_481, %dma_wait3A_482] : memref<832x32xf32, #tpu.memory_space<vmem>> -> memref<104x32xf32, #tpu.memory_space<vmem>>
    %dma_wait3A_484 = arith.constant 2704 : i32
    %dma_wait3A_485 = tpu.memref_slice %arg5[%dma_wait3A_484] : memref<3328xi32, #tpu.memory_space<vmem>> -> memref<104xi32, #tpu.memory_space<vmem>>
    %dma_wait3A_486 = arith.constant 0 : i32
    %dma_wait3A_487 = arith.constant 0 : i32
    %dma_wait3A_488 = tpu.memref_slice %arg3[%dma_wait3A_486, %dma_wait3A_487] : memref<1000012x32xf32, #tpu.memory_space<hbm>> -> memref<1000012x32xf32, #tpu.memory_space<hbm>>
    tpu.wait_indirect_dma semaphore(%arg10 : memref<!tpu.dma_semaphore, #tpu.memory_space<semaphore_mem>>) src(%dma_wait3A_488 : memref<1000012x32xf32, #tpu.memory_space<hbm>>) dst(%dma_wait3A_483 : memref<104x32xf32, #tpu.memory_space<vmem>>)
    %dma_wait3A_489 = arith.constant 312 : i32
    %dma_wait3A_490 = arith.constant 0 : i32
    %dma_wait3A_491 = tpu.memref_slice %arg7[%dma_wait3A_489, %dma_wait3A_490] : memref<832x32xf32, #tpu.memory_space<vmem>> -> memref<104x32xf32, #tpu.memory_space<vmem>>
    %dma_wait3A_492 = arith.constant 2808 : i32
    %dma_wait3A_493 = tpu.memref_slice %arg5[%dma_wait3A_492] : memref<3328xi32, #tpu.memory_space<vmem>> -> memref<104xi32, #tpu.memory_space<vmem>>
    %dma_wait3A_494 = arith.constant 0 : i32
    %dma_wait3A_495 = arith.constant 0 : i32
    %dma_wait3A_496 = tpu.memref_slice %arg3[%dma_wait3A_494, %dma_wait3A_495] : memref<1000012x32xf32, #tpu.memory_space<hbm>> -> memref<1000012x32xf32, #tpu.memory_space<hbm>>
    tpu.wait_indirect_dma semaphore(%arg10 : memref<!tpu.dma_semaphore, #tpu.memory_space<semaphore_mem>>) src(%dma_wait3A_496 : memref<1000012x32xf32, #tpu.memory_space<hbm>>) dst(%dma_wait3A_491 : memref<104x32xf32, #tpu.memory_space<vmem>>)
    %dma_wait3A_497 = arith.constant 416 : i32
    %dma_wait3A_498 = arith.constant 0 : i32
    %dma_wait3A_499 = tpu.memref_slice %arg7[%dma_wait3A_497, %dma_wait3A_498] : memref<832x32xf32, #tpu.memory_space<vmem>> -> memref<104x32xf32, #tpu.memory_space<vmem>>
    %dma_wait3A_500 = arith.constant 2912 : i32
    %dma_wait3A_501 = tpu.memref_slice %arg5[%dma_wait3A_500] : memref<3328xi32, #tpu.memory_space<vmem>> -> memref<104xi32, #tpu.memory_space<vmem>>
    %dma_wait3A_502 = arith.constant 0 : i32
    %dma_wait3A_503 = arith.constant 0 : i32
    %dma_wait3A_504 = tpu.memref_slice %arg3[%dma_wait3A_502, %dma_wait3A_503] : memref<1000012x32xf32, #tpu.memory_space<hbm>> -> memref<1000012x32xf32, #tpu.memory_space<hbm>>
    tpu.wait_indirect_dma semaphore(%arg10 : memref<!tpu.dma_semaphore, #tpu.memory_space<semaphore_mem>>) src(%dma_wait3A_504 : memref<1000012x32xf32, #tpu.memory_space<hbm>>) dst(%dma_wait3A_499 : memref<104x32xf32, #tpu.memory_space<vmem>>)
    %dma_wait3A_505 = arith.constant 520 : i32
    %dma_wait3A_506 = arith.constant 0 : i32
    %dma_wait3A_507 = tpu.memref_slice %arg7[%dma_wait3A_505, %dma_wait3A_506] : memref<832x32xf32, #tpu.memory_space<vmem>> -> memref<104x32xf32, #tpu.memory_space<vmem>>
    %dma_wait3A_508 = arith.constant 3016 : i32
    %dma_wait3A_509 = tpu.memref_slice %arg5[%dma_wait3A_508] : memref<3328xi32, #tpu.memory_space<vmem>> -> memref<104xi32, #tpu.memory_space<vmem>>
    %dma_wait3A_510 = arith.constant 0 : i32
    %dma_wait3A_511 = arith.constant 0 : i32
    %dma_wait3A_512 = tpu.memref_slice %arg3[%dma_wait3A_510, %dma_wait3A_511] : memref<1000012x32xf32, #tpu.memory_space<hbm>> -> memref<1000012x32xf32, #tpu.memory_space<hbm>>
    tpu.wait_indirect_dma semaphore(%arg10 : memref<!tpu.dma_semaphore, #tpu.memory_space<semaphore_mem>>) src(%dma_wait3A_512 : memref<1000012x32xf32, #tpu.memory_space<hbm>>) dst(%dma_wait3A_507 : memref<104x32xf32, #tpu.memory_space<vmem>>)
    %dma_wait3A_513 = arith.constant 624 : i32
    %dma_wait3A_514 = arith.constant 0 : i32
    %dma_wait3A_515 = tpu.memref_slice %arg7[%dma_wait3A_513, %dma_wait3A_514] : memref<832x32xf32, #tpu.memory_space<vmem>> -> memref<104x32xf32, #tpu.memory_space<vmem>>
    %dma_wait3A_516 = arith.constant 3120 : i32
    %dma_wait3A_517 = tpu.memref_slice %arg5[%dma_wait3A_516] : memref<3328xi32, #tpu.memory_space<vmem>> -> memref<104xi32, #tpu.memory_space<vmem>>
    %dma_wait3A_518 = arith.constant 0 : i32
    %dma_wait3A_519 = arith.constant 0 : i32
    %dma_wait3A_520 = tpu.memref_slice %arg3[%dma_wait3A_518, %dma_wait3A_519] : memref<1000012x32xf32, #tpu.memory_space<hbm>> -> memref<1000012x32xf32, #tpu.memory_space<hbm>>
    tpu.wait_indirect_dma semaphore(%arg10 : memref<!tpu.dma_semaphore, #tpu.memory_space<semaphore_mem>>) src(%dma_wait3A_520 : memref<1000012x32xf32, #tpu.memory_space<hbm>>) dst(%dma_wait3A_515 : memref<104x32xf32, #tpu.memory_space<vmem>>)
    %dma_wait3A_521 = arith.constant 728 : i32
    %dma_wait3A_522 = arith.constant 0 : i32
    %dma_wait3A_523 = tpu.memref_slice %arg7[%dma_wait3A_521, %dma_wait3A_522] : memref<832x32xf32, #tpu.memory_space<vmem>> -> memref<104x32xf32, #tpu.memory_space<vmem>>
    %dma_wait3A_524 = arith.constant 3224 : i32
    %dma_wait3A_525 = tpu.memref_slice %arg5[%dma_wait3A_524] : memref<3328xi32, #tpu.memory_space<vmem>> -> memref<104xi32, #tpu.memory_space<vmem>>
    %dma_wait3A_526 = arith.constant 0 : i32
    %dma_wait3A_527 = arith.constant 0 : i32
    %dma_wait3A_528 = tpu.memref_slice %arg3[%dma_wait3A_526, %dma_wait3A_527] : memref<1000012x32xf32, #tpu.memory_space<hbm>> -> memref<1000012x32xf32, #tpu.memory_space<hbm>>
    tpu.wait_indirect_dma semaphore(%arg10 : memref<!tpu.dma_semaphore, #tpu.memory_space<semaphore_mem>>) src(%dma_wait3A_528 : memref<1000012x32xf32, #tpu.memory_space<hbm>>) dst(%dma_wait3A_523 : memref<104x32xf32, #tpu.memory_space<vmem>>)
    %scan3A_529 = arith.constant 0 : i32
    %scan3A_530 = arith.constant 832 : i32
    %scan3A_531 = arith.addi %scan3A_529, %scan3A_530 : i32
    %scan3A_532 = arith.constant 1 : i32
    scf.for %scan3A_534 = %scan3A_529 to %scan3A_531 step %scan3A_532  : i32 {
      %mul3A_535 = arith.constant 1 : i32
      %mul3A_536 = arith.muli %scan3A_534, %mul3A_535 : i32
      %add3A_537 = arith.constant 0 : i32
      %add3A_538 = arith.addi %add3A_537, %mul3A_536 : i32
      %jit3A = arith.constant 8 : i32
      %div3A = arith.divsi %add3A_538, %jit3A : i32
      %sign3A = arith.constant 0 : i32
      %sign3A_539 = arith.cmpi sgt, %add3A_538, %sign3A : i32
      %sign3A_540 = arith.extui %sign3A_539 : i1 to i32
      %sign3A_541 = arith.constant 0 : i32
      %sign3A_542 = arith.cmpi slt, %add3A_538, %sign3A_541 : i32
      %sign3A_543 = arith.extui %sign3A_542 : i1 to i32
      %sign3A_544 = arith.subi %sign3A_540, %sign3A_543 : i32
      %sign3A_545 = arith.constant 0 : i32
      %sign3A_546 = arith.cmpi sgt, %jit3A, %sign3A_545 : i32
      %sign3A_547 = arith.extui %sign3A_546 : i1 to i32
      %sign3A_548 = arith.constant 0 : i32
      %sign3A_549 = arith.cmpi slt, %jit3A, %sign3A_548 : i32
      %sign3A_550 = arith.extui %sign3A_549 : i1 to i32
      %sign3A_551 = arith.subi %sign3A_547, %sign3A_550 : i32
      %ne3A = arith.cmpi ne, %sign3A_544, %sign3A_551 : i32
      %rem3A = arith.remsi %add3A_538, %jit3A : i32
      %ne3A_552 = arith.constant 0 : i32
      %ne3A_553 = arith.cmpi ne, %rem3A, %ne3A_552 : i32
      %and3A = arith.andi %ne3A, %ne3A_553 : i1
      %sub3A = arith.constant 1 : i32
      %sub3A_554 = arith.subi %div3A, %sub3A : i32
      %select_n3A = arith.select %and3A, %sub3A_554, %div3A : i32
      %jit3A_555 = arith.constant 8 : i32
      %eq3A = arith.constant 0 : i32
      %eq3A_556 = arith.cmpi eq, %jit3A_555, %eq3A : i32
      %jit3A_557 = arith.constant 1 : i32
      %select_n3A_558 = arith.select %eq3A_556, %jit3A_557, %jit3A_555 : i32
      %rem3A_559 = arith.remsi %add3A_538, %select_n3A_558 : i32
      %ne3A_560 = arith.constant 0 : i32
      %ne3A_561 = arith.cmpi ne, %rem3A_559, %ne3A_560 : i32
      %lt3A = arith.constant 0 : i32
      %lt3A_562 = arith.cmpi slt, %rem3A_559, %lt3A : i32
      %lt3A_563 = arith.constant 0 : i32
      %lt3A_564 = arith.cmpi slt, %select_n3A_558, %lt3A_563 : i32
      %ne3A_565 = arith.xori %lt3A_562, %lt3A_564 : i1
      %and3A_566 = arith.andi %ne3A_565, %ne3A_561 : i1
      %add3A_567 = arith.addi %rem3A_559, %select_n3A_558 : i32
      %select_n3A_568 = arith.select %and3A_566, %add3A_567, %rem3A_559 : i32
      %jit3A_569 = arith.constant 26 : i32
      %div3A_570 = arith.divsi %select_n3A, %jit3A_569 : i32
      %sign3A_571 = arith.constant 0 : i32
      %sign3A_572 = arith.cmpi sgt, %select_n3A, %sign3A_571 : i32
      %sign3A_573 = arith.extui %sign3A_572 : i1 to i32
      %sign3A_574 = arith.constant 0 : i32
      %sign3A_575 = arith.cmpi slt, %select_n3A, %sign3A_574 : i32
      %sign3A_576 = arith.extui %sign3A_575 : i1 to i32
      %sign3A_577 = arith.subi %sign3A_573, %sign3A_576 : i32
      %sign3A_578 = arith.constant 0 : i32
      %sign3A_579 = arith.cmpi sgt, %jit3A_569, %sign3A_578 : i32
      %sign3A_580 = arith.extui %sign3A_579 : i1 to i32
      %sign3A_581 = arith.constant 0 : i32
      %sign3A_582 = arith.cmpi slt, %jit3A_569, %sign3A_581 : i32
      %sign3A_583 = arith.extui %sign3A_582 : i1 to i32
      %sign3A_584 = arith.subi %sign3A_580, %sign3A_583 : i32
      %ne3A_585 = arith.cmpi ne, %sign3A_577, %sign3A_584 : i32
      %rem3A_586 = arith.remsi %select_n3A, %jit3A_569 : i32
      %ne3A_587 = arith.constant 0 : i32
      %ne3A_588 = arith.cmpi ne, %rem3A_586, %ne3A_587 : i32
      %and3A_589 = arith.andi %ne3A_585, %ne3A_588 : i1
      %sub3A_590 = arith.constant 1 : i32
      %sub3A_591 = arith.subi %div3A_570, %sub3A_590 : i32
      %select_n3A_592 = arith.select %and3A_589, %sub3A_591, %div3A_570 : i32
      %mul3A_593 = arith.constant 26 : i32
      %mul3A_594 = arith.muli %select_n3A_592, %mul3A_593 : i32
      %sub3A_595 = arith.subi %select_n3A, %mul3A_594 : i32
      %mul3A_596 = arith.constant 8 : i32
      %mul3A_597 = arith.muli %mul3A_596, %select_n3A_592 : i32
      %add3A_598 = arith.addi %mul3A_597, %select_n3A_568 : i32
      %iota3A = tpu.iota {dimensions = array<i32: 0>} : vector<16xi32>
      %broadcast_in_dim3A = vector.broadcast %add3A_598 : i32 to vector<16xi32>
      %add3A_599 = arith.constant 0 : i32
      %add3A_600 = vector.broadcast %add3A_599 : i32 to vector<16xi32>
      %add3A_601 = arith.addi %iota3A, %add3A_600 : vector<16xi32>
      %mul3A_602 = arith.constant 26 : i32
      %mul3A_603 = vector.broadcast %mul3A_602 : i32 to vector<16xi32>
      %mul3A_604 = arith.muli %add3A_601, %mul3A_603 : vector<16xi32>
      %add3A_605 = vector.broadcast %sub3A_595 : i32 to vector<16xi32>
      %add3A_606 = arith.addi %mul3A_604, %add3A_605 : vector<16xi32>
      %gather3A = tpu.vector_load_idx %arg7[%add3A_606, %broadcast_in_dim3A] : memref<832x32xf32, #tpu.memory_space<vmem>>[vector<16xi32>, vector<16xi32>], vector<16xf32>,
      %swap3A = arith.index_cast %select_n3A : i32 to index
      %swap3A_607 = arith.index_cast %select_n3A_568 : i32 to index
      %swap3A_608 = arith.constant 0 : index
      %swap3A_609 = tpu.vector_load %arg8[%swap3A, %swap3A_607, %swap3A_608] {strides = array<i32>} : memref<104x8x32xf32, #tpu.memory_space<vmem>>, vector<16xf32>,
      tpu.vector_store %arg8[%swap3A, %swap3A_607, %swap3A_608], %gather3A {strides = array<i32>} : memref<104x8x32xf32, #tpu.memory_space<vmem>>, vector<16xf32>,
      %add3A_610 = arith.constant 16 : i32
      %add3A_611 = vector.broadcast %add3A_610 : i32 to vector<16xi32>
      %add3A_612 = arith.addi %iota3A, %add3A_611 : vector<16xi32>
      %mul3A_613 = arith.constant 26 : i32
      %mul3A_614 = vector.broadcast %mul3A_613 : i32 to vector<16xi32>
      %mul3A_615 = arith.muli %add3A_612, %mul3A_614 : vector<16xi32>
      %add3A_616 = vector.broadcast %sub3A_595 : i32 to vector<16xi32>
      %add3A_617 = arith.addi %mul3A_615, %add3A_616 : vector<16xi32>
      %gather3A_618 = tpu.vector_load_idx %arg7[%add3A_617, %broadcast_in_dim3A] : memref<832x32xf32, #tpu.memory_space<vmem>>[vector<16xi32>, vector<16xi32>], vector<16xf32>,
      %swap3A_619 = arith.index_cast %select_n3A : i32 to index
      %swap3A_620 = arith.index_cast %select_n3A_568 : i32 to index
      %swap3A_621 = arith.constant 16 : index
      %swap3A_622 = tpu.vector_load %arg8[%swap3A_619, %swap3A_620, %swap3A_621] {strides = array<i32>} : memref<104x8x32xf32, #tpu.memory_space<vmem>>, vector<16xf32>,
      tpu.vector_store %arg8[%swap3A_619, %swap3A_620, %swap3A_621], %gather3A_618 {strides = array<i32>} : memref<104x8x32xf32, #tpu.memory_space<vmem>>, vector<16xf32>,
    }
    %scan3A_533 = arith.constant 832 : i32
    "tpu.region"() ({
      %run_scoped3A = tpu.sem_alloc : memref<!tpu.dma_semaphore, #tpu.memory_space<semaphore_mem>>
      %dma_start3A_534 = arith.constant 0 : i32
      %dma_start3A_535 = arith.constant 0 : i32
      %dma_start3A_536 = arith.constant 96 : i32
      %dma_start3A_537 = tpu.memref_slice %arg4[%dma_start3A_534, %add3A, %dma_start3A_535, %dma_start3A_536] : memref<104x32x8x128xf32, #tpu.memory_space<hbm>> -> memref<104x1x8x32xf32, #tpu.memory_space<hbm>>
      %dma_start3A_538 = tpu.memref_squeeze %dma_start3A_537 : memref<104x1x8x32xf32, #tpu.memory_space<hbm>> -> memref<104x8x32xf32, #tpu.memory_space<hbm>>
      %dma_start3A_539 = arith.constant 0 : i32
      %dma_start3A_540 = arith.constant 0 : i32
      %dma_start3A_541 = arith.constant 96 : i32
      %dma_start3A_542 = tpu.memref_slice %arg4[%dma_start3A_539, %add3A, %dma_start3A_540, %dma_start3A_541] : memref<104x32x8x128xf32, #tpu.memory_space<hbm>> -> memref<104x1x8x32xf32, #tpu.memory_space<hbm>>
      %dma_start3A_543 = tpu.memref_squeeze %dma_start3A_542 : memref<104x1x8x32xf32, #tpu.memory_space<hbm>> -> memref<104x8x32xf32, #tpu.memory_space<hbm>>
      tpu.enqueue_dma source(%arg8 : memref<104x8x32xf32, #tpu.memory_space<vmem>>) target(%dma_start3A_543 : memref<104x8x32xf32, #tpu.memory_space<hbm>>) target_semaphore(%run_scoped3A : memref<!tpu.dma_semaphore, #tpu.memory_space<semaphore_mem>>)
      %dma_wait3A_544 = arith.constant 0 : i32
      %dma_wait3A_545 = arith.constant 0 : i32
      %dma_wait3A_546 = arith.constant 96 : i32
      %dma_wait3A_547 = tpu.memref_slice %arg4[%dma_wait3A_544, %add3A, %dma_wait3A_545, %dma_wait3A_546] : memref<104x32x8x128xf32, #tpu.memory_space<hbm>> -> memref<104x1x8x32xf32, #tpu.memory_space<hbm>>
      %dma_wait3A_548 = tpu.memref_squeeze %dma_wait3A_547 : memref<104x1x8x32xf32, #tpu.memory_space<hbm>> -> memref<104x8x32xf32, #tpu.memory_space<hbm>>
      %dma_wait3A_549 = arith.constant 0 : i32
      %dma_wait3A_550 = arith.constant 0 : i32
      %dma_wait3A_551 = arith.constant 96 : i32
      %dma_wait3A_552 = tpu.memref_slice %arg4[%dma_wait3A_549, %add3A, %dma_wait3A_550, %dma_wait3A_551] : memref<104x32x8x128xf32, #tpu.memory_space<hbm>> -> memref<104x1x8x32xf32, #tpu.memory_space<hbm>>
      %dma_wait3A_553 = tpu.memref_squeeze %dma_wait3A_552 : memref<104x1x8x32xf32, #tpu.memory_space<hbm>> -> memref<104x8x32xf32, #tpu.memory_space<hbm>>
      tpu.wait_dma2 semaphore(%run_scoped3A : memref<!tpu.dma_semaphore, #tpu.memory_space<semaphore_mem>>) src(%arg8 : memref<104x8x32xf32, #tpu.memory_space<vmem>>) dst(%dma_wait3A_553 : memref<104x8x32xf32, #tpu.memory_space<hbm>>)
      tpu.yield
    }) : () -> ()
    return
  }
}

</mosaic_0001>

<sc_bundles>
// kernel: kernel.3.cloned.1.call-start
scs
__scs_entry_jumppad:
0x0: {  	(pc) =	sbr.rel $0x88, $3  }
0x1: {  	(tag) =	ssettag $0x0;
	lr =	simm.s32 $0x1  }
0x2: {  	[smem:$0x3F9F] =	sst lr;
	_ =	strace $0xD0000000  }
0x3: {  	_ = 	snop  }
0x4: {  	_ = 	snop  }
0x5: {  	_ = 	snop  }
0x6: {  	_ = 	snop  }
0x7: {  	_ = 	snop  }
__scs_overlays_trampoline_lowered:
0x8: {  	[smem:$0x3FAE] =	sst s0  }
0x9: {  	[smem:$0x3FAF] =	sst s1  }
0xa: {  	[smem:$0x3FB0] =	sst s2  }
0xb: {  	[smem:$0x3FB1] =	sst s3  }
0xc: {  	[smem:$0x3FB2] =	sst s4  }
0xd: {  	[smem:$0x3FB3] =	sst s5  }
0xe: {  	[smem:$0x3FB4] =	sst s6  }
0xf: {  	[smem:$0x3FB5] =	sst s7  }
0x10: {  	[smem:$0x3FB6] =	sst s8  }
0x11: {  	[smem:$0x3FB7] =	sst s9;
	s0 =	simm.s32 @!p0 $0x0  }
0x12: {  	s1 =	sld [smem:$0x3F9D];
	s0 =	simm.s32 @p0 $0x1  }
0x13: {  	[smem:$0x3FB8] =	sst s0;
	s0 =	simm.s32 @!p1 $0x0  }
0x14: {  	s2 =	sld [smem:$0x3F9C];
	s0 =	simm.s32 @p1 $0x1  }
0x15: {  	[smem:$0x3FB9] =	sst s0;
	s0 =	simm.s32 @!p2 $0x0  }
0x16: {  	s3 =	sld [smem:$0x3FDB];
	s0 =	simm.s32 @p2 $0x1  }
0x17: {  	s4 =	simm.s32 $0x1BF5;
	[smem:$0x3FBB] =	sst s0  }
0x18: {  	s0 =	sld [smem:$0x3F9E];
	_ =	swait.ge [sflag:s4], $0x0  }
0x19: {  	s7 =	sld [smem:$0x3F9F]  }
0x1a: {  	s8 =	sadd.s32 $0xFFFFE003, lr  }
0x1b: {  	s9 =	sadd.s32 $0xFFFFFEF7, lr;
	s5 =	simm.s32 $0xFFFFFFFF;
	p2 =	slt.u32 s8, $0xFFFFF086  }
0x1c: {  	p1 =	slt.u32 s9, $0xF7A;
	s5 =	simm.s32 @!p2 $0x0  }
0x1d: {  	s5 =	simm.s32 @p1 $0x1;
	p0 =	seq.s32 s7, s2  }
0x1e: {  	s7 =	smul.u32 @!p0 $0xF7A, s2;
	p2 =	seq.s32 @!p0 s5, $0x0  }
0x1f: {  	s9 =	smul.u32 $0xF7A, s1;
	s8 =	simm.s32 @!p0 $0x1BF5;
	p2 =	por !p2, p0  }
0x20: {  	[sflag:s8] =	ssyncset.s32 @!p0 $0xFFFFF086;
	s6 =	sadd.s32 @!p0 s3, s7;
	s7 =	simm.s32 @!p0 $0x108  }
0x21: {  	s3 =	sadd.s32 s3, s9;
	s6 =	sadd.s32 @!p0 $0x88, s6;
	s7 =	simm.s32 @p2 $0x1082  }
0x22: {  	[simem:s7], [sflag:s8] =	dma.local @!p0 [hbm:s6], $0xF7A  }
0x23: {  	s9 =	sor.u32 $0xD0000000, s2;
	s6 =	simm.s32 $0x108;
	_ =	swait.ge @!p0 [sflag:s8], $0x0  }
0x24: {  	s3 =	sadd.s32 $0x88, s3;
	s6 =	simm.s32 @!p1 $0x1082;
	[sflag:s4] =	ssyncset.s32 $0xFFFFF086  }
0x25: {  	[simem:s6], [sflag:s4] =	dma.local [hbm:s3], $0xF7A  }
0x26: {  	[smem:$0x3F9F] =	sst s1;
	(tag) =	ssettag s2;
	_ =	strace s9  }
0x27: {  	s1 =	sld [smem:$0x3FAF]  }
0x28: {  	s2 =	sld [smem:$0x3FB0]  }
0x29: {  	s4 =	sld [smem:$0x3FB2]  }
0x2a: {  	p0 =	seq.s32 s5, $0x0;
	s5 =	sld [smem:$0x3FB3]  }
0x2b: {  	s6 =	sld [smem:$0x3FB4]  }
0x2c: {  	s7 =	sld [smem:$0x3FB5]  }
0x2d: {  	s3 =	simm.s32 $0x108;
	s8 =	sld [smem:$0x3FB6]  }
0x2e: {  	s3 =	simm.s32 @!p0 $0x1082;
	s9 =	sld [smem:$0x3FB7]  }
0x2f: {  	lr =	sadd.s32 s0, s3;
	s0 =	sld [smem:$0x3FAE]  }
0x30: {  	s3 =	sld [smem:$0x3FB1]  }
0x31: {  	[smem:$0x3FBA] =	sst s10  }
0x32: {  	s10 =	sld [smem:$0x3FB8];
	_ =	sdelay $0x3  }
0x33: {  	p0 =	seq.s32 s10, $0x1;
	s10 =	sld [smem:$0x3FBA];
	_ =	sdelay $0x3  }
0x34: {  	[smem:$0x3FBA] =	sst s10  }
0x35: {  	s10 =	sld [smem:$0x3FB9];
	_ =	sdelay $0x3  }
0x36: {  	p1 =	seq.s32 s10, $0x1;
	s10 =	sld [smem:$0x3FBA];
	_ =	sdelay $0x3  }
0x37: {  	[smem:$0x3FBA] =	sst s10  }
0x38: {  	s10 =	sld [smem:$0x3FBB]  }
0x39: {  	_ = 	snop;
	(pc) =	sbr.ind lr, $3  }
0x3a: {  	_ = 	snop  }
0x3b: {  	_ = 	snop  }
0x3c: {  	p2 =	seq.s32 s10, $0x1;
	s10 =	sld [smem:$0x3FBA]  }
0x3d: {  	_ =	shalt  }
0x3e: {  	_ =	shalt  }
0x3f: {  	_ =	shalt  }
0x40: {  	_ =	shalt  }
0x41: {  	_ =	shalt  }
0x42: {  	_ =	shalt  }
0x43: {  	_ =	shalt  }
0x44: {  	_ =	shalt  }
0x45: {  	_ =	shalt  }
0x46: {  	_ =	shalt  }
0x47: {  	_ =	shalt  }
0x48: {  	_ =	shalt  }
0x49: {  	_ =	shalt  }
0x4a: {  	_ =	shalt  }
0x4b: {  	_ =	shalt  }
0x4c: {  	_ =	shalt  }
0x4d: {  	_ =	shalt  }
0x4e: {  	_ =	shalt  }
0x4f: {  	_ =	shalt  }
0x50: {  	_ =	shalt  }
0x51: {  	_ =	shalt  }
0x52: {  	_ =	shalt  }
0x53: {  	_ =	shalt  }
0x54: {  	_ =	shalt  }
0x55: {  	_ =	shalt  }
0x56: {  	_ =	shalt  }
0x57: {  	_ =	shalt  }
0x58: {  	_ =	shalt  }
0x59: {  	_ =	shalt  }
0x5a: {  	_ =	shalt  }
0x5b: {  	_ =	shalt  }
0x5c: {  	_ =	shalt  }
0x5d: {  	_ =	shalt  }
0x5e: {  	_ =	shalt  }
0x5f: {  	_ =	shalt  }
0x60: {  	_ =	shalt  }
0x61: {  	_ =	shalt  }
0x62: {  	_ =	shalt  }
0x63: {  	_ =	shalt  }
0x64: {  	_ =	shalt  }
0x65: {  	_ =	shalt  }
0x66: {  	_ =	shalt  }
0x67: {  	_ =	shalt  }
0x68: {  	_ =	shalt  }
0x69: {  	_ =	shalt  }
0x6a: {  	_ =	shalt  }
0x6b: {  	_ =	shalt  }
0x6c: {  	_ =	shalt  }
0x6d: {  	_ =	shalt  }
0x6e: {  	_ =	shalt  }
0x6f: {  	_ =	shalt  }
0x70: {  	_ =	shalt  }
0x71: {  	_ =	shalt  }
0x72: {  	_ =	shalt  }
0x73: {  	_ =	shalt  }
0x74: {  	_ =	shalt  }
0x75: {  	_ =	shalt  }
0x76: {  	_ =	shalt  }
0x77: {  	_ =	shalt  }
0x78: {  	_ =	shalt  }
0x79: {  	_ =	shalt  }
0x7a: {  	_ =	shalt  }
0x7b: {  	_ =	shalt  }
0x7c: {  	_ =	shalt  }
0x7d: {  	_ =	shalt  }
0x7e: {  	_ =	shalt  }
0x7f: {  	_ =	shalt  }
0x80: {  	_ =	shalt  }
0x81: {  	_ =	shalt  }
0x82: {  	_ =	shalt  }
0x83: {  	_ =	shalt  }
0x84: {  	_ =	shalt  }
0x85: {  	_ =	shalt  }
0x86: {  	_ =	shalt  }
0x87: {  	_ =	shalt  }
.Lfunc_end0:
.L_simem_size_0:
called_computation_lowered:
.L_overlay_start_0:
0x88: {  	s2 =	sld [smem:$0x3FD9]  }
0x89: {  	s3 =	sld [smem:$0x3FFE];
	_ =	sdelay $0x1  }
0x8a: {  	s1 =	srdreg.scid  }
0x8b: {  	s0 =	sand.u32 $0x1, s1  }
0x8c: {  	s17 =	sshll.u32 s0, $0xA;
	s2 =	sadd.s32 s3, s2  }
0x8d: {  	s2 =	sadd.s32 s2, s17  }
0x8e: {  	[smem:$0x3FC6] =	sst s2  }
0x8f: {  	_ = 	snop  }
0x90: {  	s2 =	sld [smem:$0x3FD0];
	(tm) =	ssettm $0x1  }
0x91: {  	s18 =	sld [smem:$0x3FFB];
	_ =	sdelay $0x3  }
0x92: {  	_ =	strace s18  }
0x93: {  	s3 =	sld [smem:$0x3FFC];
	_ =	sdelay $0x3  }
0x94: {  	_ =	strace s3  }
0x95: {  	s3 =	sld [smem:$0x3FFD];
	_ =	sdelay $0x3  }
0x96: {  	_ =	strace s3  }
0x97: {  	_ =	strace $0x8FFFFFFF  }
0x98: {  	s19 =	sld [smem:$0x3FDB];
	_ =	sdelay $0x1  }
0x99: {  	s4 =	simm.s32 $_scs_section_size  }
0x9a: {  	s5 =	simm.s32 $_size__tile_overlayer_lowered;
	s6 =	simm.s32 $_tile_overlayer_lowered  }
0x9b: {  	s22 =	simm.s32 $0x1BFF;
	s21 =	sshll.u32 s6, $0x1;
	s3 =	sadd.s32 s4, s19  }
0x9c: {  	s7 =	simm.s32 $0x0;
	s20 =	sshll.u32 s5, $0x1;
	s5 =	sadd.s32 s21, s3  }
0x9d: {  	[timem:s7], [sflag:s22] =	dma.local [hbm:s5], s20  }
0x9e: {  	_ =	swait.ge [sflag:s22], s20  }
0x9f: {  	s4 =	ssub.s32 $0x0, s20;
	[sflag:s22] =	ssyncset.done $0x0  }
0xa0: {  	[sflag:s22] =	ssyncadd.s32 s4;
	_ =	sdelay $0x1  }
0xa1: {  	s23 =	simm.s32 $0x1B8B  }
0xa2: {  	_ =	swait.ge [sflag:s23], $0x1  }
0xa3: {  	[sflag:s23] =	ssyncset.done $0x0  }
0xa4: {  	s25 =	simm.s32 $0x1B8E;
	s24 =	sld [smem:$0x3FFE];
	[sflag:s23] =	ssyncadd.s32 $0xFFFFFFFF  }
0xa5: {  	s26 =	simm.s32 $execute0_lowered;
	[smem:$0x3FD2] =	sst s25  }
0xa6: {  	s5 =	sshll.u32 s26, $0x1;
	_ =	strace $0x80000046;
	[dreg:$0x1] =	wrdreg $0xFFFFFFFF  }
0xa7: {  	s28 =	simm.s32 $_size_execute0_lowered;
	s3 =	sadd.s32 s3, s5;
	[dreg:$0x0] =	wrdreg $0x0  }
0xa8: {  	s5 =	sshll.u32 s28, $0x1;
	[dreg:$0x2] =	wrdreg s3  }
0xa9: {  	[dreg:$0x3] =	wrdreg s5  }
0xaa: {  	[dreg:$0x4] =	wrdreg $0xC0  }
0xab: {  	_ =	task [dreg:s7], $0x5FFFF  }
0xac: {  	[dreg:$0x1] =	wrdreg $0xFFFFFFFF  }
0xad: {  	[dreg:$0x0] =	wrdreg $0x60  }
0xae: {  	[dreg:$0x2] =	wrdreg s24  }
0xaf: {  	[dreg:$0x3] =	wrdreg s2  }
0xb0: {  	[dreg:$0x4] =	wrdreg $0x9  }
0xb1: {  	_ =	task.clear_ibuf [dreg:s7], $0x5FFFF;
	_ =	strace $0x90000046  }
0xb2: {  	s29 =	simm.s32 $0x9;
	_ =	strace $0x80000048  }
0xb3: {  	_ =	swait.ge [sflag:s29], $0x1  }
0xb4: {  	[sflag:s29] =	ssyncadd.s32 $0xFFFFFFFF  }
0xb5: {  	_ =	strace $0x90000048  }
0xb6: {  	_ =	sfence  }
0xb7: {  	s30 =	sld [smem:$0x0];
	_ =	sdelay $0x2  }
0xb8: {  	s31 =	sshll.u32 s1, $0xD;
	s1 =	sshrl.u32 s1, $0x2  }
0xb9: {  	s3 =	sand.u32 $0x4000, s31;
	s1 =	sadd.s32 s1, s30  }
0xba: {  	s0 =	sor.u32 s3, s0;
	s1 =	sshll.u32 s1, $0x11  }
0xbb: {  	s0 =	sor.u32 s1, s0  }
0xbc: {  	s0 =	sadd.s32 $0x8F2B, s0  }
0xbd: {  	[sflag:s0] =	ssyncadd.remote.s32 $0x1  }
0xbe: {  	_ =	sfence.sel $0xFFFF  }
0xbf: {  	[dreg:$0x0] =	wrdreg $0xFFFFFFFF;
	(pc) =	sbr.abs _section_cstart, $3  }
0xc0: {  	[dreg:$0x1] =	wrdreg $0xFFFFFFFF  }
0xc1: {  	_ =	task.clear_ibuf [dreg:s7], $0x2FFFF;
	_ =	strace $0x9FFFFFFF  }
0xc2: {  	(tm) =	ssettm $0x7FFFFFFF  }
0xc3: {  	_ =	shalt  }
tec
execute0_lowered:
.L_overlay_start_1:
0x0: {  	(tag) =	ssettag $0x1  }
0x1: {  	s0 =	srdreg.scid  }
0x2: {  	s2 =	stileid.u32;
	s1 =	rddreg [dreg:$0x0]  }
0x3: {  	s4 =	rddreg [dreg:$0x1];
	s10 =	simm.s32 $0x3;
	s11 =	simm.s32 $0x68  }
0x4: {  	s12 =	simm.s32 $0xD00;
	s28 =	simm.s32 $0x7500;
	s30 =	simm.s32 $0x8200  }
0x5: {  	s14 =	simm.s32 $0x9C00;
	s18 =	simm.s32 $0xA900;
	s22 =	simm.s32 $0xB600  }
0x6: {  	s31 =	simm.s32 $0xD000;
	s16 =	simm.s32 $0x20;
	s20 =	simm.s32 $0x80  }
0x7: {  	s24 =	simm.s32 $0x2;
	s0 =	sand.u32 $0x1, s0;
	s2 =	sshll.u32 s2, $0x1  }
0x8: {  	s29 =	simm.s32 $0x0;
	s5 =	sor.u32 s0, s2;
	s2 =	simm.s32 $0x0  }
0x9: {  	s0 =	ssub.s32 $0x2, s0;
	s3 =	smul.u32 $0x1A0, s5;
	[smem:$0x7FF] =	sst s2  }
0xa: {  	s25 =	sshrl.u32 s0, $0x1;
	s5 =	sshll.u32 s5, $0x7;
	_ =	strace $0x80000047  }
0xb: {  	s0 =	ssub.s32 s0, s25;
	s5 =	sadd.s32 s4, s5;
	s25 =	simm.s32 $0x6800  }
0xc: {  	v0 =	vlaneseq.u32;
	s6 =	sadd.s32 s3, s1;
	s3 =	sadd.s32 $0xF42E00, s1;
	s7 =	sadd.s32 $0x8, s5  }
0xd: {  	v0 =	vmul.u32 $0x340, v0;
	s8 =	sadd.s32 $0xC, s5;
	s0 =	smax.u32 s0, $0x1;
	s1 =	simm.s32 $0x8F00  }
0xe: {  	s26 =	sadd.s32 $0x800, s6;
	s6 =	sadd.s32 $0x4, s5;
	[dreg:$0x4] =	wrdreg s0  }
0xf: {  	v1 =	vadd.s32 $0x3400, v0;
	s0 =	simm.s32 $0x1;
	[dreg:$0x3] =	wrdreg s26;
	s26 =	simm.s32 $0xC300  }
.LBB2_1:
0x10: {  	s4 =	rddreg [dreg:$0x3]  }
0x11: {  	[tilespmem:s2], [sflag:$0x3] =	stream.linear.gather [hbm4b:s4+s2], $0xD00, $0x38;
	[tilespmem:$0x14500] =	vst v63  }
0x12: {  	_ =	swait.ge [sflag:s10], $0xD00  }
0x13: {  	[sflag:s10] =	ssyncset.done $0x0  }
0x14: {  	[sflag:s10] =	ssyncadd.s32 $0xFFFFF300  }
0x15: {  	[tilespmem:s12], [sflag:$0x1] =	stream.indirect.gather [hbm4b:s3+s11], $0x20, s2, s11, $0xb8;
	[tilespmem:$0x14500] =	vst v63  }
0x16: {  	s13 =	simm.s32 $0x1A00  }
0x17: {  	[tilespmem:s13], [sflag:$0x1] =	stream.indirect.gather [hbm4b:s3+s11], $0x20, s11, s11, $0xb8;
	[tilespmem:$0x14500] =	vst v63  }
0x18: {  	s15 =	simm.s32 $0xD0;
	s9 =	simm.s32 $0x2700  }
0x19: {  	[tilespmem:s9], [sflag:$0x1] =	stream.indirect.gather [hbm4b:s3+s11], $0x20, s15, s11, $0xb8;
	[tilespmem:$0x14500] =	vst v63  }
0x1a: {  	s17 =	simm.s32 $0x138;
	s19 =	simm.s32 $0x3400  }
0x1b: {  	[tilespmem:s19], [sflag:$0x1] =	stream.indirect.gather [hbm4b:s3+s11], $0x20, s17, s11, $0xb8;
	[tilespmem:$0x14500] =	vst v63  }
0x1c: {  	s21 =	simm.s32 $0x1A0;
	s23 =	simm.s32 $0x4100  }
0x1d: {  	[tilespmem:s23], [sflag:$0x1] =	stream.indirect.gather [hbm4b:s3+s11], $0x20, s21, s11, $0xb8;
	[tilespmem:$0x14500] =	vst v63  }
0x1e: {  	s13 =	simm.s32 $0x4E00;
	s9 =	simm.s32 $0x208  }
0x1f: {  	[tilespmem:s13], [sflag:$0x1] =	stream.indirect.gather [hbm4b:s3+s11], $0x20, s9, s11, $0xb8;
	[tilespmem:$0x14500] =	vst v63  }
0x20: {  	s15 =	simm.s32 $0x270;
	s17 =	simm.s32 $0x5B00  }
0x21: {  	[tilespmem:s17], [sflag:$0x1] =	stream.indirect.gather [hbm4b:s3+s11], $0x20, s15, s11, $0xb8;
	[tilespmem:$0x14500] =	vst v63  }
0x22: {  	s19 =	simm.s32 $0x2D8  }
0x23: {  	[tilespmem:s25], [sflag:$0x1] =	stream.indirect.gather [hbm4b:s3+s11], $0x20, s19, s11, $0xb8;
	[tilespmem:$0x14500] =	vst v63  }
0x24: {  	s21 =	simm.s32 $0x340  }
0x25: {  	[tilespmem:s28], [sflag:$0x2] =	stream.indirect.gather [hbm4b:s3+s11], $0x20, s21, s11, $0xb8;
	[tilespmem:$0x14500] =	vst v63  }
0x26: {  	s23 =	simm.s32 $0x3A8  }
0x27: {  	[tilespmem:s30], [sflag:$0x2] =	stream.indirect.gather [hbm4b:s3+s11], $0x20, s23, s11, $0xb8;
	[tilespmem:$0x14500] =	vst v63  }
0x28: {  	s9 =	simm.s32 $0x410  }
0x29: {  	[tilespmem:s1], [sflag:$0x2] =	stream.indirect.gather [hbm4b:s3+s11], $0x20, s9, s11, $0xb8;
	[tilespmem:$0x14500] =	vst v63  }
0x2a: {  	s13 =	simm.s32 $0x478  }
0x2b: {  	[tilespmem:s14], [sflag:$0x2] =	stream.indirect.gather [hbm4b:s3+s11], $0x20, s13, s11, $0xb8;
	[tilespmem:$0x14500] =	vst v63  }
0x2c: {  	s15 =	simm.s32 $0x4E0  }
0x2d: {  	[tilespmem:s18], [sflag:$0x2] =	stream.indirect.gather [hbm4b:s3+s11], $0x20, s15, s11, $0xb8;
	[tilespmem:$0x14500] =	vst v63  }
0x2e: {  	s17 =	simm.s32 $0x548  }
0x2f: {  	[tilespmem:s22], [sflag:$0x2] =	stream.indirect.gather [hbm4b:s3+s11], $0x20, s17, s11, $0xb8;
	[tilespmem:$0x14500] =	vst v63  }
0x30: {  	s19 =	simm.s32 $0x5B0  }
0x31: {  	[tilespmem:s26], [sflag:$0x2] =	stream.indirect.gather [hbm4b:s3+s11], $0x20, s19, s11, $0xb8;
	[tilespmem:$0x14500] =	vst v63  }
0x32: {  	s21 =	simm.s32 $0x618  }
0x33: {  	[tilespmem:s31], [sflag:$0x2] =	stream.indirect.gather [hbm4b:s3+s11], $0x20, s21, s11, $0xb8;
	[tilespmem:$0x14500] =	vst v63  }
0x34: {  	_ =	swait.ge [sflag:s0], $0xD00  }
0x35: {  	[sflag:s0] =	ssyncset.done $0x0  }
0x36: {  	[sflag:s0] =	ssyncadd.s32 $0xFFFFF300  }
0x37: {  	_ =	swait.ge [sflag:s0], $0xD00  }
0x38: {  	[sflag:s0] =	ssyncset.done $0x0  }
0x39: {  	[sflag:s0] =	ssyncadd.s32 $0xFFFFF300  }
0x3a: {  	_ =	swait.ge [sflag:s0], $0xD00  }
0x3b: {  	[sflag:s0] =	ssyncset.done $0x0  }
0x3c: {  	[sflag:s0] =	ssyncadd.s32 $0xFFFFF300  }
0x3d: {  	s23 =	smul.u32 $0x4EC5, s2;
	_ =	swait.ge [sflag:s0], $0xD00  }
0x3e: {  	[sflag:s0] =	ssyncset.done $0x0  }
0x3f: {  	s4 =	sshrl.u32 s23, $0x16;
	[sflag:s0] =	ssyncadd.s32 $0xFFFFF300  }
0x40: {  	s15 =	smul.u32 $0xFFFFFFE6, s4;
	_ =	swait.ge [sflag:s0], $0xD00  }
0x41: {  	s13 =	sand.u32 $0x7, s2;
	[sflag:s0] =	ssyncset.done $0x0  }
0x42: {  	s4 =	sshll.u32 s4, $0x3;
	s15 =	sadd.s32 $0x0, s15;
	[sflag:s0] =	ssyncadd.s32 $0xFFFFF300  }
0x43: {  	s4 =	sor.u32 s13, s4;
	v2 =	vmov s15;
	_ =	swait.ge [sflag:s0], $0xD00  }
0x44: {  	v4 =	vmov s4;
	v2 =	vshll.u32 v2, $0x5;
	[sflag:s0] =	ssyncset.done $0x0  }
0x45: {  	v3 =	vand.u32 $0x38, v4;
	v5 =	vadd.s32 v0, v2;
	[sflag:s0] =	ssyncadd.s32 $0xFFFFF300  }
0x46: {  	v4 =	vand.u32 $0x7, v4;
	v5 =	vadd.s32 v3, v5;
	_ =	swait.ge [sflag:s0], $0xD00  }
0x47: {  	v5 =	vor.u32 v4, v5;
	[sflag:s0] =	ssyncset.done $0x0  }
0x48: {  	[sflag:s0] =	ssyncadd.s32 $0xFFFFF300  }
0x49: {  	_ =	swait.ge [sflag:s0], $0xD00  }
0x4a: {  	s17 =	simm.s32 $0x2;
	s15 =	simm.s32 $0x1;
	[sflag:s0] =	ssyncset.done $0x0  }
0x4b: {  	s4 =	simm.s32 $0x0;
	s19 =	smul.u32 $0x4EC5, s15;
	[sflag:s0] =	ssyncadd.s32 $0xFFFFF300  }
.LBB2_2:
0x4c: {  	p0 =	sne.s32 s17, $0x33F;
	v5 =	vld.idx.msk [tilespmem:v5+s12+$0x0], $0xffff;
	v2 =	vadd.s32 v1, v2  }
0x4d: {  	s19 =	sshrl.u32 s19, $0x16;
	v2 =	vadd.s32 v3, v2  }
0x4e: {  	s21 =	sshll.u32 s4, $0x5;
	s4 =	smov.u32 s15;
	s9 =	smul.u32 $0xFFFFFFE6, s19;
	v4 =	vor.u32 v4, v2  }
0x4f: {  	s15 =	sshrl.u32 s4, $0x3;
	s23 =	sand.u32 $0x7, s4;
	s21 =	sand.u32 $0x3FFFFF00, s21  }
0x50: {  	s13 =	sshll.u32 s13, $0x5;
	s9 =	sadd.s32 s15, s9;
	s15 =	sshll.u32 s19, $0x3  }
0x51: {  	s15 =	sor.u32 s23, s15;
	v2 =	vmov s9;
	s9 =	sor.u32 s13, s21;
	s13 =	smov.u32 s23  }
0x52: {  	v6 =	vmov s15;
	v2 =	vshll.u32 v2, $0x5;
	[tilespmem:s9+$0xDD00] =	vst v5;
	s15 =	smov.u32 s17  }
0x53: {  	v3 =	vand.u32 $0x38, v6;
	v5 =	vadd.s32 v0, v2;
	v7 =	vld.idx.msk [tilespmem:v4+s12+$0x0], $0xffff  }
0x54: {  	v4 =	vand.u32 $0x7, v6;
	v5 =	vadd.s32 v3, v5  }
.Ltmp0:
0x55: {  	v5 =	vor.u32 v4, v5;
	(pc) =	sbr.rel @p0 .LBB2_2-.Ltmp0, $2  }
0x56: {  	_ =	sdelay $0x2  }
0x57: {  	s17 =	sadd.s32 $0x1, s17;
	s19 =	smul.u32 $0x4EC5, s15;
	[tilespmem:s9+$0xDD10] =	vst v7  }
0x58: {  	_ =	sdelay $0x2  }
0x59: {  	v2 =	vadd.s32 v1, v2;
	s9 =	sshrl.u32 s19, $0x16  }
0x5a: {  	v5 =	vld.idx.msk [tilespmem:v5+s12+$0x0], $0xffff;
	v2 =	vadd.s32 v3, v2;
	s17 =	smul.u32 $0xFFFFFFE6, s9  }
0x5b: {  	s4 =	sshll.u32 s4, $0x5;
	s23 =	sshrl.u32 s15, $0x3;
	v2 =	vor.u32 v4, v2  }
0x5c: {  	s21 =	sand.u32 $0x7, s15;
	s9 =	sshll.u32 s9, $0x3;
	s17 =	sadd.s32 s23, s17  }
0x5d: {  	s13 =	sshll.u32 s13, $0x5;
	s4 =	sand.u32 $0x3FFFFF00, s4;
	s9 =	sor.u32 s21, s9;
	v3 =	vmov s17  }
0x5e: {  	s4 =	sor.u32 s13, s4;
	v62 =	vmov s9;
	v3 =	vshll.u32 v3, $0x5  }
0x5f: {  	[tilespmem:s4+$0xDD00] =	vst v5;
	v63 =	vand.u32 $0x38, v62;
	v6 =	vadd.s32 v0, v3  }
0x60: {  	v4 =	vand.u32 $0x7, v62;
	v2 =	vld.idx.msk [tilespmem:v2+s12+$0x0], $0xffff;
	v6 =	vadd.s32 v63, v6  }
0x61: {  	v6 =	vor.u32 v4, v6;
	_ =	sdelay $0x3  }
0x62: {  	[tilespmem:s4+$0xDD10] =	vst v2;
	v2 =	vadd.s32 v1, v3  }
0x63: {  	v2 =	vadd.s32 v63, v2;
	v3 =	vld.idx.msk [tilespmem:v6+s12+$0x0], $0xffff  }
0x64: {  	v2 =	vor.u32 v4, v2  }
0x65: {  	s19 =	sshll.u32 s15, $0x5  }
0x66: {  	s21 =	sshll.u32 s21, $0x5;
	s4 =	sand.u32 $0x3FFFFF00, s19  }
0x67: {  	s4 =	sor.u32 s21, s4  }
0x68: {  	[tilespmem:s4+$0xDD00] =	vst v3  }
0x69: {  	v2 =	vld.idx.msk [tilespmem:v2+s12+$0x0], $0xffff;
	_ =	sdelay $0x4  }
0x6a: {  	s13 =	smov.u32 s5;
	s23 =	simm.s32 $0xDD00;
	[tilespmem:s4+$0xDD10] =	vst v2;
	s4 =	simm.s32 $0x400  }
0x6b: {  	[hbm4b:s5+s16] =	stream.strided.scatter [tilespmem:s23], [sflag:$0x3], $0x100, s20, s16, $0x38;
	[tilespmem:$0x14500] =	vst v63  }
.LBB2_4:
0x6c: {  	p0 =	sne.s32 s4, $0x19C00  }
.Ltmp1:
0x6d: {  	_ = 	snop;
	(pc) =	sbr.rel @p0 .LBB2_4-.Ltmp1, $4  }
0x6e: {  	_ = 	snop  }
0x6f: {  	s9 =	sshra.s32 s4, $0x2;
	s4 =	sadd.s32 $0x400, s4  }
0x70: {  	s13 =	sadd.s32 $0x1000, s13;
	s9 =	sadd.s32 $0xDD00, s9  }
0x71: {  	[hbm4b:s13+s16] =	stream.strided.scatter [tilespmem:s9], [sflag:$0x3], $0x100, s20, s16, $0x38;
	[tilespmem:$0x14500] =	vst v63  }
0x72: {  	_ =	swait.ge [sflag:s10], $0x6800  }
0x73: {  	[sflag:s10] =	ssyncset.done $0x0  }
0x74: {  	s4 =	simm.s32 $0x680;
	[sflag:s10] =	ssyncadd.s32 $0xFFFF9800  }
0x75: {  	[tilespmem:s12], [sflag:$0x1] =	stream.indirect.gather [hbm4b:s3+s11], $0x20, s4, s11, $0xb8;
	[tilespmem:$0x14500] =	vst v63  }
0x76: {  	s23 =	simm.s32 $0x1A00;
	s9 =	simm.s32 $0x6E8  }
0x77: {  	[tilespmem:s23], [sflag:$0x1] =	stream.indirect.gather [hbm4b:s3+s11], $0x20, s9, s11, $0xb8;
	[tilespmem:$0x14500] =	vst v63  }
0x78: {  	s13 =	simm.s32 $0x2700;
	s15 =	simm.s32 $0x750  }
0x79: {  	[tilespmem:s13], [sflag:$0x1] =	stream.indirect.gather [hbm4b:s3+s11], $0x20, s15, s11, $0xb8;
	[tilespmem:$0x14500] =	vst v63  }
0x7a: {  	s17 =	simm.s32 $0x3400;
	s19 =	simm.s32 $0x7B8  }
0x7b: {  	[tilespmem:s17], [sflag:$0x1] =	stream.indirect.gather [hbm4b:s3+s11], $0x20, s19, s11, $0xb8;
	[tilespmem:$0x14500] =	vst v63  }
0x7c: {  	s21 =	simm.s32 $0x4100;
	s23 =	simm.s32 $0x820  }
0x7d: {  	[tilespmem:s21], [sflag:$0x1] =	stream.indirect.gather [hbm4b:s3+s11], $0x20, s23, s11, $0xb8;
	[tilespmem:$0x14500] =	vst v63  }
0x7e: {  	s9 =	simm.s32 $0x4E00;
	s13 =	simm.s32 $0x888  }
0x7f: {  	[tilespmem:s9], [sflag:$0x1] =	stream.indirect.gather [hbm4b:s3+s11], $0x20, s13, s11, $0xb8;
	[tilespmem:$0x14500] =	vst v63  }
0x80: {  	s15 =	simm.s32 $0x5B00;
	s17 =	simm.s32 $0x8F0  }
0x81: {  	[tilespmem:s15], [sflag:$0x1] =	stream.indirect.gather [hbm4b:s3+s11], $0x20, s17, s11, $0xb8;
	[tilespmem:$0x14500] =	vst v63  }
0x82: {  	s19 =	simm.s32 $0x958  }
0x83: {  	[tilespmem:s25], [sflag:$0x1] =	stream.indirect.gather [hbm4b:s3+s11], $0x20, s19, s11, $0xb8;
	[tilespmem:$0x14500] =	vst v63  }
0x84: {  	_ =	swait.ge [sflag:s24], $0xD00  }
0x85: {  	[sflag:s24] =	ssyncset.done $0x0  }
0x86: {  	[sflag:s24] =	ssyncadd.s32 $0xFFFFF300  }
0x87: {  	_ =	swait.ge [sflag:s24], $0xD00  }
0x88: {  	[sflag:s24] =	ssyncset.done $0x0  }
0x89: {  	[sflag:s24] =	ssyncadd.s32 $0xFFFFF300  }
0x8a: {  	_ =	swait.ge [sflag:s24], $0xD00  }
0x8b: {  	[sflag:s24] =	ssyncset.done $0x0  }
0x8c: {  	s13 =	simm.s32 $0x0;
	[sflag:s24] =	ssyncadd.s32 $0xFFFFF300  }
0x8d: {  	s21 =	smul.u32 $0x4EC5, s13;
	_ =	swait.ge [sflag:s24], $0xD00  }
0x8e: {  	[sflag:s24] =	ssyncset.done $0x0  }
0x8f: {  	s4 =	sshrl.u32 s21, $0x16;
	[sflag:s24] =	ssyncadd.s32 $0xFFFFF300  }
0x90: {  	s23 =	smul.u32 $0xFFFFFFE6, s4;
	_ =	swait.ge [sflag:s24], $0xD00  }
0x91: {  	s15 =	sand.u32 $0x7, s13;
	[sflag:s24] =	ssyncset.done $0x0  }
0x92: {  	s4 =	sshll.u32 s4, $0x3;
	s9 =	sadd.s32 $0x0, s23;
	[sflag:s24] =	ssyncadd.s32 $0xFFFFF300  }
0x93: {  	s4 =	sor.u32 s15, s4;
	v2 =	vmov s9;
	_ =	swait.ge [sflag:s24], $0xD00  }
0x94: {  	v4 =	vmov s4;
	v2 =	vshll.u32 v2, $0x5;
	[sflag:s24] =	ssyncset.done $0x0  }
0x95: {  	v3 =	vand.u32 $0x38, v4;
	v5 =	vadd.s32 v0, v2;
	[sflag:s24] =	ssyncadd.s32 $0xFFFFF300  }
0x96: {  	v4 =	vand.u32 $0x7, v4;
	v5 =	vadd.s32 v3, v5;
	_ =	swait.ge [sflag:s24], $0xD00  }
0x97: {  	v5 =	vor.u32 v4, v5;
	[sflag:s24] =	ssyncset.done $0x0  }
0x98: {  	[sflag:s24] =	ssyncadd.s32 $0xFFFFF300  }
0x99: {  	_ =	swait.ge [sflag:s24], $0xD00  }
0x9a: {  	s4 =	simm.s32 $0x1;
	[sflag:s24] =	ssyncset.done $0x0  }
0x9b: {  	s17 =	simm.s32 $0x2;
	s19 =	smul.u32 $0x4EC5, s4;
	[sflag:s24] =	ssyncadd.s32 $0xFFFFF300  }
.LBB2_6:
0x9c: {  	p0 =	sne.s32 s17, $0x33F;
	v5 =	vld.idx.msk [tilespmem:v5+s28+$0x0], $0xffff;
	v2 =	vadd.s32 v1, v2  }
0x9d: {  	s9 =	sshrl.u32 s19, $0x16;
	v2 =	vadd.s32 v3, v2  }
0x9e: {  	s21 =	sshll.u32 s13, $0x5;
	s13 =	smov.u32 s4;
	s19 =	smul.u32 $0xFFFFFFE6, s9;
	v4 =	vor.u32 v4, v2  }
0x9f: {  	s4 =	sshrl.u32 s13, $0x3;
	s23 =	sand.u32 $0x7, s13;
	s21 =	sand.u32 $0x3FFFFF00, s21  }
0xa0: {  	s15 =	sshll.u32 s15, $0x5;
	s9 =	sshll.u32 s9, $0x3;
	s4 =	sadd.s32 s4, s19  }
0xa1: {  	s21 =	sor.u32 s15, s21;
	s15 =	smov.u32 s23;
	s9 =	sor.u32 s23, s9;
	v2 =	vmov s4  }
0xa2: {  	v6 =	vmov s9;
	s4 =	smov.u32 s17;
	v2 =	vshll.u32 v2, $0x5;
	[tilespmem:s21+$0xDD00] =	vst v5  }
0xa3: {  	v3 =	vand.u32 $0x38, v6;
	v5 =	vadd.s32 v0, v2;
	v7 =	vld.idx.msk [tilespmem:v4+s28+$0x0], $0xffff  }
0xa4: {  	v4 =	vand.u32 $0x7, v6;
	v5 =	vadd.s32 v3, v5  }
.Ltmp2:
0xa5: {  	v5 =	vor.u32 v4, v5;
	(pc) =	sbr.rel @p0 .LBB2_6-.Ltmp2, $2  }
0xa6: {  	_ =	sdelay $0x2  }
0xa7: {  	s17 =	sadd.s32 $0x1, s17;
	s19 =	smul.u32 $0x4EC5, s4;
	[tilespmem:s21+$0xDD10] =	vst v7  }
0xa8: {  	_ =	sdelay $0x2  }
0xa9: {  	v2 =	vadd.s32 v1, v2;
	s9 =	sshrl.u32 s19, $0x16  }
0xaa: {  	v5 =	vld.idx.msk [tilespmem:v5+s28+$0x0], $0xffff;
	v2 =	vadd.s32 v3, v2;
	s17 =	smul.u32 $0xFFFFFFE6, s9  }
0xab: {  	s13 =	sshll.u32 s13, $0x5;
	s23 =	sshrl.u32 s4, $0x3;
	v2 =	vor.u32 v4, v2  }
0xac: {  	s21 =	sand.u32 $0x7, s4;
	s9 =	sshll.u32 s9, $0x3;
	s17 =	sadd.s32 s23, s17  }
0xad: {  	s15 =	sshll.u32 s15, $0x5;
	s13 =	sand.u32 $0x3FFFFF00, s13;
	s9 =	sor.u32 s21, s9;
	v3 =	vmov s17  }
0xae: {  	s13 =	sor.u32 s15, s13;
	v62 =	vmov s9;
	v3 =	vshll.u32 v3, $0x5  }
0xaf: {  	[tilespmem:s13+$0xDD00] =	vst v5;
	v63 =	vand.u32 $0x38, v62;
	v6 =	vadd.s32 v0, v3  }
0xb0: {  	v4 =	vand.u32 $0x7, v62;
	v2 =	vld.idx.msk [tilespmem:v2+s28+$0x0], $0xffff;
	v6 =	vadd.s32 v63, v6  }
0xb1: {  	v6 =	vor.u32 v4, v6;
	_ =	sdelay $0x3  }
0xb2: {  	[tilespmem:s13+$0xDD10] =	vst v2;
	v2 =	vadd.s32 v1, v3  }
0xb3: {  	v2 =	vadd.s32 v63, v2;
	v3 =	vld.idx.msk [tilespmem:v6+s28+$0x0], $0xffff  }
0xb4: {  	v2 =	vor.u32 v4, v2  }
0xb5: {  	s19 =	sshll.u32 s4, $0x5  }
0xb6: {  	s4 =	sand.u32 $0x3FFFFF00, s19;
	s21 =	sshll.u32 s21, $0x5  }
0xb7: {  	s4 =	sor.u32 s21, s4  }
0xb8: {  	[tilespmem:s4+$0xDD00] =	vst v3  }
0xb9: {  	v2 =	vld.idx.msk [tilespmem:v2+s28+$0x0], $0xffff;
	_ =	sdelay $0x4  }
0xba: {  	s23 =	simm.s32 $0xDD00;
	s13 =	smov.u32 s6;
	[tilespmem:s4+$0xDD10] =	vst v2;
	s4 =	simm.s32 $0x400  }
0xbb: {  	[hbm4b:s6+s16] =	stream.strided.scatter [tilespmem:s23], [sflag:$0x3], $0x100, s20, s16, $0x38;
	[tilespmem:$0x14500] =	vst v63  }
.LBB2_8:
0xbc: {  	p0 =	sne.s32 s4, $0x19C00  }
.Ltmp3:
0xbd: {  	_ = 	snop;
	(pc) =	sbr.rel @p0 .LBB2_8-.Ltmp3, $4  }
0xbe: {  	_ = 	snop  }
0xbf: {  	s9 =	sshra.s32 s4, $0x2;
	s4 =	sadd.s32 $0x400, s4  }
0xc0: {  	s13 =	sadd.s32 $0x1000, s13;
	s9 =	sadd.s32 $0xDD00, s9  }
0xc1: {  	[hbm4b:s13+s16] =	stream.strided.scatter [tilespmem:s9], [sflag:$0x3], $0x100, s20, s16, $0x38;
	[tilespmem:$0x14500] =	vst v63  }
0xc2: {  	_ =	swait.ge [sflag:s10], $0x6800  }
0xc3: {  	[sflag:s10] =	ssyncset.done $0x0  }
0xc4: {  	s4 =	simm.s32 $0x9C0;
	[sflag:s10] =	ssyncadd.s32 $0xFFFF9800  }
0xc5: {  	[tilespmem:s28], [sflag:$0x2] =	stream.indirect.gather [hbm4b:s3+s11], $0x20, s4, s11, $0xb8;
	[tilespmem:$0x14500] =	vst v63  }
0xc6: {  	s23 =	simm.s32 $0xA28  }
0xc7: {  	[tilespmem:s30], [sflag:$0x2] =	stream.indirect.gather [hbm4b:s3+s11], $0x20, s23, s11, $0xb8;
	[tilespmem:$0x14500] =	vst v63  }
0xc8: {  	s9 =	simm.s32 $0xA90  }
0xc9: {  	[tilespmem:s1], [sflag:$0x2] =	stream.indirect.gather [hbm4b:s3+s11], $0x20, s9, s11, $0xb8;
	[tilespmem:$0x14500] =	vst v63  }
0xca: {  	s13 =	simm.s32 $0xAF8  }
0xcb: {  	[tilespmem:s14], [sflag:$0x2] =	stream.indirect.gather [hbm4b:s3+s11], $0x20, s13, s11, $0xb8;
	[tilespmem:$0x14500] =	vst v63  }
0xcc: {  	s15 =	simm.s32 $0xB60  }
0xcd: {  	[tilespmem:s18], [sflag:$0x2] =	stream.indirect.gather [hbm4b:s3+s11], $0x20, s15, s11, $0xb8;
	[tilespmem:$0x14500] =	vst v63  }
0xce: {  	s17 =	simm.s32 $0xBC8  }
0xcf: {  	[tilespmem:s22], [sflag:$0x2] =	stream.indirect.gather [hbm4b:s3+s11], $0x20, s17, s11, $0xb8;
	[tilespmem:$0x14500] =	vst v63  }
0xd0: {  	s19 =	simm.s32 $0xC30  }
0xd1: {  	[tilespmem:s26], [sflag:$0x2] =	stream.indirect.gather [hbm4b:s3+s11], $0x20, s19, s11, $0xb8;
	[tilespmem:$0x14500] =	vst v63  }
0xd2: {  	s21 =	simm.s32 $0xC98  }
0xd3: {  	[tilespmem:s31], [sflag:$0x2] =	stream.indirect.gather [hbm4b:s3+s11], $0x20, s21, s11, $0xb8;
	[tilespmem:$0x14500] =	vst v63  }
0xd4: {  	_ =	swait.ge [sflag:s0], $0xD00  }
0xd5: {  	[sflag:s0] =	ssyncset.done $0x0  }
0xd6: {  	[sflag:s0] =	ssyncadd.s32 $0xFFFFF300  }
0xd7: {  	_ =	swait.ge [sflag:s0], $0xD00  }
0xd8: {  	[sflag:s0] =	ssyncset.done $0x0  }
0xd9: {  	[sflag:s0] =	ssyncadd.s32 $0xFFFFF300  }
0xda: {  	_ =	swait.ge [sflag:s0], $0xD00  }
0xdb: {  	[sflag:s0] =	ssyncset.done $0x0  }
0xdc: {  	s13 =	simm.s32 $0x0;
	[sflag:s0] =	ssyncadd.s32 $0xFFFFF300  }
0xdd: {  	s23 =	smul.u32 $0x4EC5, s13;
	_ =	swait.ge [sflag:s0], $0xD00  }
0xde: {  	[sflag:s0] =	ssyncset.done $0x0  }
0xdf: {  	s4 =	sshrl.u32 s23, $0x16;
	[sflag:s0] =	ssyncadd.s32 $0xFFFFF300  }
0xe0: {  	s9 =	smul.u32 $0xFFFFFFE6, s4;
	_ =	swait.ge [sflag:s0], $0xD00  }
0xe1: {  	s15 =	sand.u32 $0x7, s13;
	[sflag:s0] =	ssyncset.done $0x0  }
0xe2: {  	s4 =	sshll.u32 s4, $0x3;
	s9 =	sadd.s32 $0x0, s9;
	[sflag:s0] =	ssyncadd.s32 $0xFFFFF300  }
0xe3: {  	s4 =	sor.u32 s15, s4;
	v2 =	vmov s9;
	_ =	swait.ge [sflag:s0], $0xD00  }
0xe4: {  	v4 =	vmov s4;
	v2 =	vshll.u32 v2, $0x5;
	[sflag:s0] =	ssyncset.done $0x0  }
0xe5: {  	v3 =	vand.u32 $0x38, v4;
	v5 =	vadd.s32 v0, v2;
	[sflag:s0] =	ssyncadd.s32 $0xFFFFF300  }
0xe6: {  	v4 =	vand.u32 $0x7, v4;
	v5 =	vadd.s32 v3, v5;
	_ =	swait.ge [sflag:s0], $0xD00  }
0xe7: {  	v5 =	vor.u32 v4, v5;
	[sflag:s0] =	ssyncset.done $0x0  }
0xe8: {  	[sflag:s0] =	ssyncadd.s32 $0xFFFFF300  }
0xe9: {  	_ =	swait.ge [sflag:s0], $0xD00  }
0xea: {  	s4 =	simm.s32 $0x1;
	[sflag:s0] =	ssyncset.done $0x0  }
0xeb: {  	s17 =	simm.s32 $0x2;
	s19 =	smul.u32 $0x4EC5, s4;
	[sflag:s0] =	ssyncadd.s32 $0xFFFFF300  }
.LBB2_10:
0xec: {  	p0 =	sne.s32 s17, $0x33F;
	v5 =	vld.idx.msk [tilespmem:v5+s12+$0x0], $0xffff;
	v2 =	vadd.s32 v1, v2  }
0xed: {  	s9 =	sshrl.u32 s19, $0x16;
	v2 =	vadd.s32 v3, v2  }
0xee: {  	s21 =	sshll.u32 s13, $0x5;
	s13 =	smov.u32 s4;
	s19 =	smul.u32 $0xFFFFFFE6, s9;
	v4 =	vor.u32 v4, v2  }
0xef: {  	s4 =	sshrl.u32 s13, $0x3;
	s23 =	sand.u32 $0x7, s13;
	s21 =	sand.u32 $0x3FFFFF00, s21  }
0xf0: {  	s15 =	sshll.u32 s15, $0x5;
	s9 =	sshll.u32 s9, $0x3;
	s4 =	sadd.s32 s4, s19  }
0xf1: {  	s21 =	sor.u32 s15, s21;
	s15 =	smov.u32 s23;
	s9 =	sor.u32 s23, s9;
	v2 =	vmov s4  }
0xf2: {  	v6 =	vmov s9;
	s4 =	smov.u32 s17;
	v2 =	vshll.u32 v2, $0x5;
	[tilespmem:s21+$0xDD00] =	vst v5  }
0xf3: {  	v3 =	vand.u32 $0x38, v6;
	v5 =	vadd.s32 v0, v2;
	v7 =	vld.idx.msk [tilespmem:v4+s12+$0x0], $0xffff  }
0xf4: {  	v4 =	vand.u32 $0x7, v6;
	v5 =	vadd.s32 v3, v5  }
.Ltmp4:
0xf5: {  	v5 =	vor.u32 v4, v5;
	(pc) =	sbr.rel @p0 .LBB2_10-.Ltmp4, $2  }
0xf6: {  	_ =	sdelay $0x2  }
0xf7: {  	s17 =	sadd.s32 $0x1, s17;
	s19 =	smul.u32 $0x4EC5, s4;
	[tilespmem:s21+$0xDD10] =	vst v7  }
0xf8: {  	_ =	sdelay $0x2  }
0xf9: {  	v2 =	vadd.s32 v1, v2;
	s9 =	sshrl.u32 s19, $0x16  }
0xfa: {  	v5 =	vld.idx.msk [tilespmem:v5+s12+$0x0], $0xffff;
	v2 =	vadd.s32 v3, v2;
	s17 =	smul.u32 $0xFFFFFFE6, s9  }
0xfb: {  	s13 =	sshll.u32 s13, $0x5;
	s23 =	sshrl.u32 s4, $0x3;
	v2 =	vor.u32 v4, v2  }
0xfc: {  	s21 =	sand.u32 $0x7, s4;
	s9 =	sshll.u32 s9, $0x3;
	s17 =	sadd.s32 s23, s17  }
0xfd: {  	s15 =	sshll.u32 s15, $0x5;
	s13 =	sand.u32 $0x3FFFFF00, s13;
	s9 =	sor.u32 s21, s9;
	v3 =	vmov s17  }
0xfe: {  	s13 =	sor.u32 s15, s13;
	v62 =	vmov s9;
	v3 =	vshll.u32 v3, $0x5  }
0xff: {  	[tilespmem:s13+$0xDD00] =	vst v5;
	v63 =	vand.u32 $0x38, v62;
	v6 =	vadd.s32 v0, v3  }
0x100: {  	v4 =	vand.u32 $0x7, v62;
	v2 =	vld.idx.msk [tilespmem:v2+s12+$0x0], $0xffff;
	v6 =	vadd.s32 v63, v6  }
0x101: {  	v6 =	vor.u32 v4, v6;
	_ =	sdelay $0x3  }
0x102: {  	[tilespmem:s13+$0xDD10] =	vst v2;
	v2 =	vadd.s32 v1, v3  }
0x103: {  	v2 =	vadd.s32 v63, v2;
	v3 =	vld.idx.msk [tilespmem:v6+s12+$0x0], $0xffff  }
0x104: {  	v2 =	vor.u32 v4, v2  }
0x105: {  	s19 =	sshll.u32 s4, $0x5  }
0x106: {  	s4 =	sand.u32 $0x3FFFFF00, s19;
	s21 =	sshll.u32 s21, $0x5  }
0x107: {  	s4 =	sor.u32 s21, s4  }
0x108: {  	[tilespmem:s4+$0xDD00] =	vst v3  }
0x109: {  	v2 =	vld.idx.msk [tilespmem:v2+s12+$0x0], $0xffff;
	_ =	sdelay $0x4  }
0x10a: {  	s23 =	simm.s32 $0xDD00;
	s13 =	smov.u32 s7;
	[tilespmem:s4+$0xDD10] =	vst v2;
	s4 =	simm.s32 $0x400  }
0x10b: {  	[hbm4b:s7+s16] =	stream.strided.scatter [tilespmem:s23], [sflag:$0x3], $0x100, s20, s16, $0x38;
	[tilespmem:$0x14500] =	vst v63  }
.LBB2_12:
0x10c: {  	p0 =	sne.s32 s4, $0x19C00  }
.Ltmp5:
0x10d: {  	_ = 	snop;
	(pc) =	sbr.rel @p0 .LBB2_12-.Ltmp5, $4  }
0x10e: {  	_ = 	snop  }
0x10f: {  	s9 =	sshra.s32 s4, $0x2;
	s4 =	sadd.s32 $0x400, s4  }
0x110: {  	s13 =	sadd.s32 $0x1000, s13;
	s9 =	sadd.s32 $0xDD00, s9  }
0x111: {  	[hbm4b:s13+s16] =	stream.strided.scatter [tilespmem:s9], [sflag:$0x3], $0x100, s20, s16, $0x38;
	[tilespmem:$0x14500] =	vst v63  }
0x112: {  	_ =	swait.ge [sflag:s10], $0x6800  }
0x113: {  	[sflag:s10] =	ssyncset.done $0x0  }
0x114: {  	[sflag:s10] =	ssyncadd.s32 $0xFFFF9800  }
0x115: {  	_ =	swait.ge [sflag:s24], $0xD00  }
0x116: {  	[sflag:s24] =	ssyncset.done $0x0  }
0x117: {  	[sflag:s24] =	ssyncadd.s32 $0xFFFFF300  }
0x118: {  	_ =	swait.ge [sflag:s24], $0xD00  }
0x119: {  	[sflag:s24] =	ssyncset.done $0x0  }
0x11a: {  	[sflag:s24] =	ssyncadd.s32 $0xFFFFF300  }
0x11b: {  	_ =	swait.ge [sflag:s24], $0xD00  }
0x11c: {  	[sflag:s24] =	ssyncset.done $0x0  }
0x11d: {  	s13 =	simm.s32 $0x0;
	[sflag:s24] =	ssyncadd.s32 $0xFFFFF300  }
0x11e: {  	s4 =	smul.u32 $0x4EC5, s13;
	_ =	swait.ge [sflag:s24], $0xD00  }
0x11f: {  	[sflag:s24] =	ssyncset.done $0x0  }
0x120: {  	s4 =	sshrl.u32 s4, $0x16;
	[sflag:s24] =	ssyncadd.s32 $0xFFFFF300  }
0x121: {  	s9 =	smul.u32 $0xFFFFFFE6, s4;
	_ =	swait.ge [sflag:s24], $0xD00  }
0x122: {  	s15 =	sand.u32 $0x7, s13;
	[sflag:s24] =	ssyncset.done $0x0  }
0x123: {  	s4 =	sshll.u32 s4, $0x3;
	s9 =	sadd.s32 $0x0, s9;
	[sflag:s24] =	ssyncadd.s32 $0xFFFFF300  }
0x124: {  	s4 =	sor.u32 s15, s4;
	v2 =	vmov s9;
	_ =	swait.ge [sflag:s24], $0xD00  }
0x125: {  	v4 =	vmov s4;
	v2 =	vshll.u32 v2, $0x5;
	[sflag:s24] =	ssyncset.done $0x0  }
0x126: {  	v3 =	vand.u32 $0x38, v4;
	v5 =	vadd.s32 v0, v2;
	[sflag:s24] =	ssyncadd.s32 $0xFFFFF300  }
0x127: {  	v4 =	vand.u32 $0x7, v4;
	v5 =	vadd.s32 v3, v5;
	_ =	swait.ge [sflag:s24], $0xD00  }
0x128: {  	v5 =	vor.u32 v4, v5;
	[sflag:s24] =	ssyncset.done $0x0  }
0x129: {  	[sflag:s24] =	ssyncadd.s32 $0xFFFFF300  }
0x12a: {  	_ =	swait.ge [sflag:s24], $0xD00  }
0x12b: {  	s4 =	simm.s32 $0x1;
	[sflag:s24] =	ssyncset.done $0x0  }
0x12c: {  	s17 =	simm.s32 $0x2;
	s19 =	smul.u32 $0x4EC5, s4;
	[sflag:s24] =	ssyncadd.s32 $0xFFFFF300  }
.LBB2_14:
0x12d: {  	p0 =	sne.s32 s17, $0x33F;
	v5 =	vld.idx.msk [tilespmem:v5+s28+$0x0], $0xffff;
	v2 =	vadd.s32 v1, v2  }
0x12e: {  	s9 =	sshrl.u32 s19, $0x16;
	v2 =	vadd.s32 v3, v2  }
0x12f: {  	s21 =	sshll.u32 s13, $0x5;
	s13 =	smov.u32 s4;
	s19 =	smul.u32 $0xFFFFFFE6, s9;
	v4 =	vor.u32 v4, v2  }
0x130: {  	s4 =	sshrl.u32 s13, $0x3;
	s23 =	sand.u32 $0x7, s13;
	s21 =	sand.u32 $0x3FFFFF00, s21  }
0x131: {  	s15 =	sshll.u32 s15, $0x5;
	s9 =	sshll.u32 s9, $0x3;
	s4 =	sadd.s32 s4, s19  }
0x132: {  	s21 =	sor.u32 s15, s21;
	s15 =	smov.u32 s23;
	s9 =	sor.u32 s23, s9;
	v2 =	vmov s4  }
0x133: {  	v6 =	vmov s9;
	s4 =	smov.u32 s17;
	v2 =	vshll.u32 v2, $0x5;
	[tilespmem:s21+$0xDD00] =	vst v5  }
0x134: {  	v3 =	vand.u32 $0x38, v6;
	v5 =	vadd.s32 v0, v2;
	v7 =	vld.idx.msk [tilespmem:v4+s28+$0x0], $0xffff  }
0x135: {  	v4 =	vand.u32 $0x7, v6;
	v5 =	vadd.s32 v3, v5  }
.Ltmp6:
0x136: {  	v5 =	vor.u32 v4, v5;
	(pc) =	sbr.rel @p0 .LBB2_14-.Ltmp6, $2  }
0x137: {  	_ =	sdelay $0x2  }
0x138: {  	s17 =	sadd.s32 $0x1, s17;
	s19 =	smul.u32 $0x4EC5, s4;
	[tilespmem:s21+$0xDD10] =	vst v7  }
0x139: {  	_ =	sdelay $0x2  }
0x13a: {  	v2 =	vadd.s32 v1, v2;
	s9 =	sshrl.u32 s19, $0x16  }
0x13b: {  	v5 =	vld.idx.msk [tilespmem:v5+s28+$0x0], $0xffff;
	v2 =	vadd.s32 v3, v2;
	s17 =	smul.u32 $0xFFFFFFE6, s9  }
0x13c: {  	s13 =	sshll.u32 s13, $0x5;
	s23 =	sshrl.u32 s4, $0x3;
	v2 =	vor.u32 v4, v2  }
0x13d: {  	s21 =	sand.u32 $0x7, s4;
	s9 =	sshll.u32 s9, $0x3;
	s17 =	sadd.s32 s23, s17  }
0x13e: {  	s15 =	sshll.u32 s15, $0x5;
	s13 =	sand.u32 $0x3FFFFF00, s13;
	s9 =	sor.u32 s21, s9;
	v3 =	vmov s17  }
0x13f: {  	s13 =	sor.u32 s15, s13;
	v62 =	vmov s9;
	v3 =	vshll.u32 v3, $0x5  }
0x140: {  	[tilespmem:s13+$0xDD00] =	vst v5;
	v63 =	vand.u32 $0x38, v62;
	v6 =	vadd.s32 v0, v3  }
0x141: {  	v4 =	vand.u32 $0x7, v62;
	v2 =	vld.idx.msk [tilespmem:v2+s28+$0x0], $0xffff;
	v6 =	vadd.s32 v63, v6  }
0x142: {  	v6 =	vor.u32 v4, v6;
	_ =	sdelay $0x3  }
0x143: {  	[tilespmem:s13+$0xDD10] =	vst v2;
	v2 =	vadd.s32 v1, v3  }
0x144: {  	v2 =	vadd.s32 v63, v2;
	v3 =	vld.idx.msk [tilespmem:v6+s28+$0x0], $0xffff  }
0x145: {  	v2 =	vor.u32 v4, v2  }
0x146: {  	s19 =	sshll.u32 s4, $0x5  }
0x147: {  	s4 =	sand.u32 $0x3FFFFF00, s19;
	s21 =	sshll.u32 s21, $0x5  }
0x148: {  	s4 =	sor.u32 s21, s4  }
0x149: {  	[tilespmem:s4+$0xDD00] =	vst v3  }
0x14a: {  	v2 =	vld.idx.msk [tilespmem:v2+s28+$0x0], $0xffff;
	_ =	sdelay $0x4  }
0x14b: {  	s23 =	simm.s32 $0xDD00;
	s13 =	smov.u32 s8;
	[tilespmem:s4+$0xDD10] =	vst v2;
	s4 =	simm.s32 $0x400  }
0x14c: {  	[hbm4b:s8+s16] =	stream.strided.scatter [tilespmem:s23], [sflag:$0x3], $0x100, s20, s16, $0x38;
	[tilespmem:$0x14500] =	vst v63  }
.LBB2_16:
0x14d: {  	p0 =	sne.s32 s4, $0x19C00  }
.Ltmp7:
0x14e: {  	_ = 	snop;
	(pc) =	sbr.rel @p0 .LBB2_16-.Ltmp7, $4  }
0x14f: {  	_ = 	snop  }
0x150: {  	s9 =	sshra.s32 s4, $0x2;
	s4 =	sadd.s32 $0x400, s4  }
0x151: {  	s13 =	sadd.s32 $0x1000, s13;
	s9 =	sadd.s32 $0xDD00, s9  }
0x152: {  	[hbm4b:s13+s16] =	stream.strided.scatter [tilespmem:s9], [sflag:$0x3], $0x100, s20, s16, $0x38;
	[tilespmem:$0x14500] =	vst v63  }
0x153: {  	_ =	swait.ge [sflag:s10], $0x6800  }
0x154: {  	s29 =	sadd.s32 $0x1, s29;
	s4 =	rddreg [dreg:$0x4]  }
0x155: {  	p0 =	sne.s32 s29, s4  }
.Ltmp8:
0x156: {  	_ = 	snop;
	(pc) =	sbr.rel @p0 .LBB2_1-.Ltmp8, $3  }
0x157: {  	_ =	sdelay $0x1  }
0x158: {  	[sflag:s10] =	ssyncset.done $0x0  }
0x159: {  	[sflag:s10] =	ssyncadd.s32 $0xFFFF9800  }
0x15a: {  	_ =	sfence.sel $0x180000  }
0x15b: {  	[bflag:$0x0] =	sbarrier.arrive $0xFFFF  }
0x15c: {  	_ =	strace $0x90000047  }
0x15d: {  	s0 =	stileid.u32;
	[bflag:$0x2] =	sbarrier.arrive $0xFFFF  }
0x15e: {  	p0 =	sne.s32 s0, $0x0;
	s0 =	rddreg [dreg:$0x2]  }
0x15f: {  	s0 =	sadd.s32 @!p0 $0x100000, s0  }
0x160: {  	[sflag:s0] =	ssyncadd.tile.s32 @!p0 $0x1;
	_ =	shalt  }
.Lfunc_end2:
_tile_overlayer_lowered:
.L_overlay_start_2:
0x161: {  	(tag) =	ssettag $0x2  }
0x162: {  	s0 =	rddreg [dreg:$0x0];
	s2 =	stileid.u32  }
0x163: {  	s1 =	rddreg [dreg:$0x1];
	p0 =	sne.s32 s2, $0x0  }
0x164: {  	s3 =	rddreg [dreg:$0x2];
	[bflag:$0x3] =	sbarrier.arrive $0xFFFF;
	s2 =	simm.s32 @!p0 $0x1C03  }
0x165: {  	[timem:s3], [sflag:s2] =	dma.local @!p0 [hbm:s0], s1  }
0x166: {  	s0 =	simm.s32 @!p0 $0x3  }
0x167: {  	_ =	swait.ge @!p0 [sflag:s0], s1  }
0x168: {  	s1 =	ssub.s32 @!p0 $0x0, s1;
	[sflag:s0] =	ssyncset.done @!p0 $0x0  }
0x169: {  	[sflag:s0] =	ssyncadd.s32 @!p0 s1  }
0x16a: {  	[bflag:$0x3] =	sbarrier.arrive $0xFFFF  }
0x16b: {  	_ =	shalt  }

</sc_bundles>
